<compile_context>
chip_gen: v7x
topology: tpu7x:2x2x1
jax: 0.10.2.dev20260603
libtpu: 0.0.44.dev20260713+nightly
codegen_flags: <defaults>
</compile_context>

<pallas_src>
import functools

import jax
import jax.numpy as jnp
from jax import lax
from jax.experimental import pallas as pl
from jax.experimental.pallas import tpu as pltpu
from jax.experimental.pallas import tpu_sc as plsc

N = 10000
E = 320000
D = 128
H = 128
G3 = 3 * H

NC = 2
NS = 16
NW = NC * NS
CHUNK = 128
CPT = -(-E // (NW * CHUNK))
E_PAD = NW * CPT * CHUNK
N_ACC = 10240
RPT = N_ACC // NS
DUMMY = N

_MESH = dict(core_axis_name="c", subcore_axis_name="s", num_cores=NC,
             num_subcores=NS)



def _deg_body(dst_hbm, zeros_hbm, ones_hbm, out_hbm, dst_v, ones_v, deg_sh):
    c = lax.axis_index("c")
    s = lax.axis_index("s")
    wid = s * NC + c
    sl = pl.ds(s * RPT, RPT)
    pltpu.sync_copy(zeros_hbm.at[sl], deg_sh.at[sl])
    pltpu.sync_copy(ones_hbm, ones_v)
    pltpu.sync_copy(dst_hbm.at[wid], dst_v)
    plsc.subcore_barrier()

    def body(j, carry):
        pltpu.sync_copy(ones_v, deg_sh.at[dst_v.at[j]], add=True)
        return carry

    lax.fori_loop(0, CPT, body, 0)
    plsc.subcore_barrier()
    pltpu.sync_copy(deg_sh.at[sl], out_hbm.at[c, sl])


def _sc_deg(dst_r, zeros_deg, ones_chunk):
    fn = pl.kernel(
        _deg_body,
        out_type=jax.ShapeDtypeStruct((NC, N_ACC, D), jnp.float32),
        mesh=plsc.VectorSubcoreMesh(**_MESH),
        scratch_types=[
            pltpu.VMEM((CPT, CHUNK), jnp.int32),
            pltpu.VMEM((CHUNK, D), jnp.float32),
            pltpu.VMEM_SHARED((N_ACC, D), jnp.float32),
        ],
    )
    return fn(dst_r, zeros_deg, ones_chunk)


def _agg_body(s_hbm, src_hbm, dst_hbm, zeros_hbm, out_hbm,
              src_v, dst_v, rows, acc_sh, sem):
    c = lax.axis_index("c")
    s = lax.axis_index("s")
    wid = s * NC + c
    sl = pl.ds(s * RPT, RPT)
    pltpu.sync_copy(zeros_hbm.at[sl], acc_sh.at[sl])
    pltpu.sync_copy(src_hbm.at[wid], src_v)
    pltpu.sync_copy(dst_hbm.at[wid], dst_v)
    plsc.subcore_barrier()

    def body(j, carry):
        pltpu.async_copy(s_hbm.at[src_v.at[j]], rows, sem).wait()
        pltpu.sync_copy(rows, acc_sh.at[dst_v.at[j]], add=True)
        return carry

    lax.fori_loop(0, CPT, body, 0)
    plsc.subcore_barrier()
    pltpu.sync_copy(acc_sh.at[sl], out_hbm.at[c, sl])


def _sc_agg(s_rows, src_r, dst_r, zeros_acc):
    fn = pl.kernel(
        _agg_body,
        out_type=jax.ShapeDtypeStruct((NC, N_ACC, D), jnp.float32),
        mesh=plsc.VectorSubcoreMesh(**_MESH),
        scratch_types=[
            pltpu.VMEM((CPT, CHUNK), jnp.int32),
            pltpu.VMEM((CPT, CHUNK), jnp.int32),
            pltpu.VMEM((CHUNK, D), jnp.float32),
            pltpu.VMEM_SHARED((N_ACC, D), jnp.float32),
            pltpu.SemaphoreType.DMA,
        ],
    )
    return fn(s_rows, src_r, dst_r, zeros_acc)



R1 = 1000
R4 = 400


def _k1_body(x_ref, w_ref, dega_ref, degb_ref, s_ref, dinv_ref):
    dinv = lax.rsqrt(dega_ref[...] + degb_ref[...] + 1.0)
    u = jnp.dot(x_ref[...], w_ref[...], preferred_element_type=jnp.float32)
    s_ref[...] = u * dinv
    dinv_ref[...] = dinv


def _k1(x, W1, dega, degb):
    grid = N // R1
    return pl.pallas_call(
        _k1_body,
        grid=(grid,),
        in_specs=[
            pl.BlockSpec((R1, D), lambda i: (i, 0)),
            pl.BlockSpec((D, H), lambda i: (0, 0)),
            pl.BlockSpec((R1, 1), lambda i: (i, 0)),
            pl.BlockSpec((R1, 1), lambda i: (i, 0)),
        ],
        out_specs=[
            pl.BlockSpec((R1, H), lambda i: (i, 0)),
            pl.BlockSpec((R1, 1), lambda i: (i, 0)),
        ],
        out_shape=[
            jax.ShapeDtypeStruct((N, H), jnp.float32),
            jax.ShapeDtypeStruct((N, 1), jnp.float32),
        ],
    )(x, W1, dega, degb)


def _k2_body(aa_ref, ab_ref, s_ref, dinv_ref, b_ref, w_ref, out_ref):
    h1 = dinv_ref[...] * (aa_ref[...] + ab_ref[...] + s_ref[...]) + b_ref[...]
    u = jnp.dot(h1, w_ref[...], preferred_element_type=jnp.float32)
    out_ref[...] = dinv_ref[...] * u


def _k2(aa, ab, s1, dinv, b1, W2):
    grid = N // R1
    return pl.pallas_call(
        _k2_body,
        grid=(grid,),
        in_specs=[
            pl.BlockSpec((R1, H), lambda i: (i, 0)),
            pl.BlockSpec((R1, H), lambda i: (i, 0)),
            pl.BlockSpec((R1, H), lambda i: (i, 0)),
            pl.BlockSpec((R1, 1), lambda i: (i, 0)),
            pl.BlockSpec((1, H), lambda i: (0, 0)),
            pl.BlockSpec((H, H), lambda i: (0, 0)),
        ],
        out_specs=pl.BlockSpec((R1, H), lambda i: (i, 0)),
        out_shape=jax.ShapeDtypeStruct((N, H), jnp.float32),
    )(aa, ab, s1, dinv, b1, W2)


def _k3_body(aa_ref, ab_ref, s_ref, dinv_ref, b_ref, w_ref, bih_ref, out_ref):
    h2 = dinv_ref[...] * (aa_ref[...] + ab_ref[...] + s_ref[...]) + b_ref[...]
    u = jnp.dot(h2, w_ref[...], preferred_element_type=jnp.float32)
    out_ref[...] = u + bih_ref[...]


def _k3(aa, ab, s2, dinv, b2, WihT, bih):
    grid = N // R1
    return pl.pallas_call(
        _k3_body,
        grid=(grid,),
        in_specs=[
            pl.BlockSpec((R1, H), lambda i: (i, 0)),
            pl.BlockSpec((R1, H), lambda i: (i, 0)),
            pl.BlockSpec((R1, H), lambda i: (i, 0)),
            pl.BlockSpec((R1, 1), lambda i: (i, 0)),
            pl.BlockSpec((1, H), lambda i: (0, 0)),
            pl.BlockSpec((H, G3), lambda i: (0, 0)),
            pl.BlockSpec((1, G3), lambda i: (0, 0)),
        ],
        out_specs=pl.BlockSpec((R1, G3), lambda i: (i, 0)),
        out_shape=jax.ShapeDtypeStruct((N, G3), jnp.float32),
    )(aa, ab, s2, dinv, b2, WihT, bih)


def _k4_body(gi_ref, whhT_ref, bhh_ref, wfcT_ref, bfc_ref, y_ref,
             h_ref, hs_ref):
    @pl.when(pl.program_id(0) == 0)
    def _():
        h_ref[...] = jnp.zeros_like(h_ref)

    whhT = whhT_ref[...]
    bhh = bhh_ref[...]

    def step(i, h):
        gh = jnp.dot(h, whhT, preferred_element_type=jnp.float32) + bhh
        gi = gi_ref[pl.ds(i, 1), :]
        rz = jax.nn.sigmoid(gi[:, :2 * H] + gh[:, :2 * H])
        r = rz[:, :H]
        z = rz[:, H:]
        n = jnp.tanh(gi[:, 2 * H:] + r * gh[:, 2 * H:])
        hn = (1.0 - z) * n + z * h
        hs_ref[pl.ds(i, 1), :] = hn
        return hn

    h = lax.fori_loop(0, R4, step, h_ref[...])
    h_ref[...] = h
    y_ref[...] = (jnp.dot(hs_ref[...], wfcT_ref[...],
                          preferred_element_type=jnp.float32) + bfc_ref[...])


def _k4(gi, WhhT, bhh, WfcT, bfc):
    grid = N // R4
    return pl.pallas_call(
        _k4_body,
        grid=(grid,),
        in_specs=[
            pl.BlockSpec((R4, G3), lambda i: (i, 0)),
            pl.BlockSpec((H, G3), lambda i: (0, 0)),
            pl.BlockSpec((1, G3), lambda i: (0, 0)),
            pl.BlockSpec((H, 1), lambda i: (0, 0)),
            pl.BlockSpec((1, 1), lambda i: (0, 0)),
        ],
        out_specs=pl.BlockSpec((R4, 1), lambda i: (i, 0)),
        out_shape=jax.ShapeDtypeStruct((N, 1), jnp.float32),
        scratch_shapes=[
            pltpu.VMEM((1, H), jnp.float32),
            pltpu.VMEM((R4, H), jnp.float32),
        ],
    )(gi, WhhT, bhh, WfcT, bfc)



def kernel(x, edge_index, W1, b1, W2, b2, Wih, Whh, bih, bhh, Wfc, bfc):
    f32 = jnp.float32
    pad = E_PAD - E
    src_r = jnp.concatenate(
        [edge_index[0], jnp.zeros((pad,), jnp.int32)]).reshape(NW, CPT, CHUNK)
    dst_r = jnp.concatenate(
        [edge_index[1], jnp.full((pad,), DUMMY, jnp.int32)]).reshape(
            NW, CPT, CHUNK)
    zeros_acc = jnp.zeros((N_ACC, D), f32)
    ones_chunk = jnp.ones((CHUNK, D), f32)

    deg = _sc_deg(dst_r, zeros_acc, ones_chunk)
    dega = deg[0, :N, 0:1]
    degb = deg[1, :N, 0:1]

    s1, dinv = _k1(x, W1, dega, degb)
    agg1 = _sc_agg(s1, src_r, dst_r, zeros_acc)
    s2 = _k2(agg1[0, :N], agg1[1, :N], s1, dinv, b1.reshape(1, H), W2)
    agg2 = _sc_agg(s2, src_r, dst_r, zeros_acc)
    gi = _k3(agg2[0, :N], agg2[1, :N], s2, dinv, b2.reshape(1, H),
             Wih.T, bih.reshape(1, G3))
    y = _k4(gi, Whh.T, bhh.reshape(1, G3), Wfc.T, bfc.reshape(1, 1))
    return y

# --- scband reference (transcript-rebuilt; emitter-appended) ---
"""Pipeline reference for scband-dcrnn-87926570483768 (READ-ONLY COPY).

The authoritative reference and input builder live on the scoring server;
editing this copy changes nothing except your own understanding.
"""

import jax, jax.numpy as jnp
import numpy as np

N_NODES = 10000
N_EDGES = 320000
D_IN = 128
H = 128
D_OUT = 1


def gcn_conv(x, edge_index, W, b):
    n = x.shape[0]
    loop = jnp.arange(n, dtype=edge_index.dtype)
    src = jnp.concatenate([edge_index[0], loop])
    dst = jnp.concatenate([edge_index[1], loop])
    deg = jnp.zeros((n,), x.dtype).at[dst].add(1.0)
    dinv = jax.lax.rsqrt(jnp.maximum(deg, 1e-12))
    norm = dinv[src] * dinv[dst]
    h = x @ W
    msg = h[src] * norm[:, None]
    out = jnp.zeros_like(h).at[dst].add(msg)
    return out + b


def gru_seq(x_seq, Wih, Whh, bih, bhh):
    hdim = Whh.shape[1]

    def step(h, x_t):
        gi = x_t @ Wih.T + bih
        gh = h @ Whh.T + bhh
        i_r, i_z, i_n = jnp.split(gi, 3)
        h_r, h_z, h_n = jnp.split(gh, 3)
        r = jax.nn.sigmoid(i_r + h_r)
        z = jax.nn.sigmoid(i_z + h_z)
        n = jnp.tanh(i_n + r * h_n)
        h_new = (1.0 - z) * n + z * h
        return h_new, h_new

    h0 = jnp.zeros((hdim,), x_seq.dtype)
    _, out = jax.lax.scan(step, h0, x_seq)
    return out


def setup_inputs(seed: int = 0) -> dict:
    key = jax.random.key(seed)
    ks = jax.random.split(key, 12)
    s = 1.0 / np.sqrt(H)
    x = jax.random.normal(ks[0], (N_NODES, D_IN), jnp.float32)
    edge_index = jax.random.randint(ks[1], (2, N_EDGES), 0, N_NODES, dtype=jnp.int32)
    W1 = jax.random.normal(ks[2], (D_IN, H), jnp.float32) * s
    b1 = jax.random.normal(ks[3], (H,), jnp.float32) * s
    W2 = jax.random.normal(ks[4], (H, H), jnp.float32) * s
    b2 = jax.random.normal(ks[5], (H,), jnp.float32) * s
    Wih = jax.random.normal(ks[6], (3 * H, H), jnp.float32) * s
    Whh = jax.random.normal(ks[7], (3 * H, H), jnp.float32) * s
    bih = jax.random.normal(ks[8], (3 * H,), jnp.float32) * s
    bhh = jax.random.normal(ks[9], (3 * H,), jnp.float32) * s
    Wfc = jax.random.normal(ks[10], (D_OUT, H), jnp.float32) * s
    bfc = jax.random.normal(ks[11], (D_OUT,), jnp.float32) * s
    return {"x": x, "edge_index": edge_index, "W1": W1, "b1": b1, "W2": W2, "b2": b2,
            "Wih": Wih, "Whh": Whh, "bih": bih, "bhh": bhh, "Wfc": Wfc, "bfc": bfc}


def reference(x, edge_index, W1, b1, W2, b2, Wih, Whh, bih, bhh, Wfc, bfc):
    h = gcn_conv(x, edge_index, W1, b1)
    h = gcn_conv(h, edge_index, W2, b2)
    out = gru_seq(h, Wih, Whh, bih, bhh)
    y = out @ Wfc.T + bfc
    return y

if __name__ == "__main__":
    import jax
    _d = setup_inputs()
    print(jax.jit(kernel)(*tuple(_d.values())))

</pallas_src>

<mosaic_0001>
#map = affine_map<(d0, d1) -> (0, 0, 0)>
#map1 = affine_map<(d0, d1) -> (0, 0)>
module attributes {stable_mosaic.version = 14 : i64} {
  func.func @_deg_body(%arg0: i32, %arg1: i32, %arg2: memref<32x79x128xi32, #tpu.memory_space<hbm>>, %arg3: memref<10240x128xf32, #tpu.memory_space<hbm>>, %arg4: memref<128x128xf32, #tpu.memory_space<hbm>>, %arg5: memref<2x10240x128xf32, #tpu.memory_space<hbm>>, %arg6: memref<79x128xi32, #tpu.memory_space<vmem>>, %arg7: memref<128x128xf32, #tpu.memory_space<vmem>>, %arg8: memref<10240x128xf32, #tpu.memory_space<vmem_shared>>) attributes {dimension_semantics = [#tpu.dimension_semantics<core_parallel>, #tpu.dimension_semantics<subcore_parallel>], iteration_bounds = array<i64: 2, 16>, scalar_prefetch = 0 : i64, scratch_operands = 3 : i64, tpu.core_type = #tpu.core_type<sc_vector_subcore>, window_params = [{transform_indices = #map}, {transform_indices = #map1}, {transform_indices = #map1}, {transform_indices = #map}]} {
    %mul3A = arith.constant 2 : i32
    %mul3A_0 = arith.muli %arg1, %mul3A : i32
    %add3A = arith.addi %mul3A_0, %arg0 : i32
    %mul3A_1 = arith.constant 640 : i32
    %mul3A_2 = arith.muli %arg1, %mul3A_1 : i32
    "tpu.region"() ({
      %run_scoped3A = tpu.sem_alloc : memref<!tpu.dma_semaphore, #tpu.memory_space<semaphore_mem>>
      %dma_start3A = arith.constant 0 : i32
      %dma_start3A_9 = tpu.memref_slice %arg8[%mul3A_2, %dma_start3A] : memref<10240x128xf32, #tpu.memory_space<vmem_shared>> -> memref<640x128xf32, #tpu.memory_space<vmem_shared>>
      %dma_start3A_10 = arith.constant 0 : i32
      %dma_start3A_11 = tpu.memref_slice %arg3[%mul3A_2, %dma_start3A_10] : memref<10240x128xf32, #tpu.memory_space<hbm>> -> memref<640x128xf32, #tpu.memory_space<hbm>>
      tpu.enqueue_dma source(%dma_start3A_11 : memref<640x128xf32, #tpu.memory_space<hbm>>) target(%dma_start3A_9 : memref<640x128xf32, #tpu.memory_space<vmem_shared>>) target_semaphore(%run_scoped3A : memref<!tpu.dma_semaphore, #tpu.memory_space<semaphore_mem>>)
      %dma_wait3A = arith.constant 0 : i32
      %dma_wait3A_12 = tpu.memref_slice %arg8[%mul3A_2, %dma_wait3A] : memref<10240x128xf32, #tpu.memory_space<vmem_shared>> -> memref<640x128xf32, #tpu.memory_space<vmem_shared>>
      %dma_wait3A_13 = arith.constant 0 : i32
      %dma_wait3A_14 = tpu.memref_slice %arg3[%mul3A_2, %dma_wait3A_13] : memref<10240x128xf32, #tpu.memory_space<hbm>> -> memref<640x128xf32, #tpu.memory_space<hbm>>
      tpu.wait_dma2 semaphore(%run_scoped3A : memref<!tpu.dma_semaphore, #tpu.memory_space<semaphore_mem>>) src(%dma_wait3A_14 : memref<640x128xf32, #tpu.memory_space<hbm>>) dst(%dma_wait3A_12 : memref<640x128xf32, #tpu.memory_space<vmem_shared>>)
      tpu.yield
    }) : () -> ()
    "tpu.region"() ({
      %run_scoped3A = tpu.sem_alloc : memref<!tpu.dma_semaphore, #tpu.memory_space<semaphore_mem>>
      tpu.enqueue_dma source(%arg4 : memref<128x128xf32, #tpu.memory_space<hbm>>) target(%arg7 : memref<128x128xf32, #tpu.memory_space<vmem>>) target_semaphore(%run_scoped3A : memref<!tpu.dma_semaphore, #tpu.memory_space<semaphore_mem>>)
      tpu.wait_dma2 semaphore(%run_scoped3A : memref<!tpu.dma_semaphore, #tpu.memory_space<semaphore_mem>>) src(%arg4 : memref<128x128xf32, #tpu.memory_space<hbm>>) dst(%arg7 : memref<128x128xf32, #tpu.memory_space<vmem>>)
      tpu.yield
    }) : () -> ()
    "tpu.region"() ({
      %run_scoped3A = tpu.sem_alloc : memref<!tpu.dma_semaphore, #tpu.memory_space<semaphore_mem>>
      %dma_start3A = arith.constant 0 : i32
      %dma_start3A_9 = arith.constant 0 : i32
      %dma_start3A_10 = tpu.memref_slice %arg2[%add3A, %dma_start3A, %dma_start3A_9] : memref<32x79x128xi32, #tpu.memory_space<hbm>> -> memref<1x79x128xi32, #tpu.memory_space<hbm>>
      %dma_start3A_11 = tpu.memref_squeeze %dma_start3A_10 : memref<1x79x128xi32, #tpu.memory_space<hbm>> -> memref<79x128xi32, #tpu.memory_space<hbm>>
      %dma_start3A_12 = arith.constant 0 : i32
      %dma_start3A_13 = arith.constant 0 : i32
      %dma_start3A_14 = tpu.memref_slice %arg2[%add3A, %dma_start3A_12, %dma_start3A_13] : memref<32x79x128xi32, #tpu.memory_space<hbm>> -> memref<1x79x128xi32, #tpu.memory_space<hbm>>
      %dma_start3A_15 = tpu.memref_squeeze %dma_start3A_14 : memref<1x79x128xi32, #tpu.memory_space<hbm>> -> memref<79x128xi32, #tpu.memory_space<hbm>>
      tpu.enqueue_dma source(%dma_start3A_15 : memref<79x128xi32, #tpu.memory_space<hbm>>) target(%arg6 : memref<79x128xi32, #tpu.memory_space<vmem>>) target_semaphore(%run_scoped3A : memref<!tpu.dma_semaphore, #tpu.memory_space<semaphore_mem>>)
      %dma_wait3A = arith.constant 0 : i32
      %dma_wait3A_16 = arith.constant 0 : i32
      %dma_wait3A_17 = tpu.memref_slice %arg2[%add3A, %dma_wait3A, %dma_wait3A_16] : memref<32x79x128xi32, #tpu.memory_space<hbm>> -> memref<1x79x128xi32, #tpu.memory_space<hbm>>
      %dma_wait3A_18 = tpu.memref_squeeze %dma_wait3A_17 : memref<1x79x128xi32, #tpu.memory_space<hbm>> -> memref<79x128xi32, #tpu.memory_space<hbm>>
      %dma_wait3A_19 = arith.constant 0 : i32
      %dma_wait3A_20 = arith.constant 0 : i32
      %dma_wait3A_21 = tpu.memref_slice %arg2[%add3A, %dma_wait3A_19, %dma_wait3A_20] : memref<32x79x128xi32, #tpu.memory_space<hbm>> -> memref<1x79x128xi32, #tpu.memory_space<hbm>>
      %dma_wait3A_22 = tpu.memref_squeeze %dma_wait3A_21 : memref<1x79x128xi32, #tpu.memory_space<hbm>> -> memref<79x128xi32, #tpu.memory_space<hbm>>
      tpu.wait_dma2 semaphore(%run_scoped3A : memref<!tpu.dma_semaphore, #tpu.memory_space<semaphore_mem>>) src(%dma_wait3A_22 : memref<79x128xi32, #tpu.memory_space<hbm>>) dst(%arg6 : memref<79x128xi32, #tpu.memory_space<vmem>>)
      tpu.yield
    }) : () -> ()
    %barrier3A = arith.constant 0 : index
    tpu.barrier barrier_id(%barrier3A)
    %scan3A = arith.constant 0 : i32
    %scan3A_3 = arith.constant 0 : i32
    %scan3A_4 = arith.constant 79 : i32
    %scan3A_5 = arith.addi %scan3A_3, %scan3A_4 : i32
    %scan3A_6 = arith.constant 1 : i32
    scf.for %scan3A_9 = %scan3A_3 to %scan3A_5 step %scan3A_6  : i32 {
      "tpu.region"() ({
        %run_scoped3A = tpu.sem_alloc : memref<!tpu.dma_semaphore, #tpu.memory_space<semaphore_mem>>
        %dma_start3A = arith.constant 0 : i32
        %dma_start3A_10 = tpu.memref_slice %arg6[%scan3A_9, %dma_start3A] : memref<79x128xi32, #tpu.memory_space<vmem>> -> memref<1x128xi32, #tpu.memory_space<vmem>>
        %dma_start3A_11 = tpu.memref_squeeze %dma_start3A_10 : memref<1x128xi32, #tpu.memory_space<vmem>> -> memref<128xi32, #tpu.memory_space<vmem>>
        %dma_start3A_12 = arith.constant 0 : i32
        %dma_start3A_13 = arith.constant 0 : i32
        %dma_start3A_14 = tpu.memref_slice %arg8[%dma_start3A_12, %dma_start3A_13] : memref<10240x128xf32, #tpu.memory_space<vmem_shared>> -> memref<10240x128xf32, #tpu.memory_space<vmem_shared>>
        tpu.enqueue_indirect_dma source(%arg7 : memref<128x128xf32, #tpu.memory_space<vmem>>) target(%dma_start3A_14 : memref<10240x128xf32, #tpu.memory_space<vmem_shared>>) offsets(%dma_start3A_11 : memref<128xi32, #tpu.memory_space<vmem>>) semaphore(%run_scoped3A : memref<!tpu.dma_semaphore, #tpu.memory_space<semaphore_mem>>) {add = true}
        %dma_wait3A = arith.constant 0 : i32
        %dma_wait3A_15 = tpu.memref_slice %arg6[%scan3A_9, %dma_wait3A] : memref<79x128xi32, #tpu.memory_space<vmem>> -> memref<1x128xi32, #tpu.memory_space<vmem>>
        %dma_wait3A_16 = tpu.memref_squeeze %dma_wait3A_15 : memref<1x128xi32, #tpu.memory_space<vmem>> -> memref<128xi32, #tpu.memory_space<vmem>>
        %dma_wait3A_17 = arith.constant 0 : i32
        %dma_wait3A_18 = arith.constant 0 : i32
        %dma_wait3A_19 = tpu.memref_slice %arg8[%dma_wait3A_17, %dma_wait3A_18] : memref<10240x128xf32, #tpu.memory_space<vmem_shared>> -> memref<10240x128xf32, #tpu.memory_space<vmem_shared>>
        tpu.wait_indirect_dma semaphore(%run_scoped3A : memref<!tpu.dma_semaphore, #tpu.memory_space<semaphore_mem>>) src(%arg7 : memref<128x128xf32, #tpu.memory_space<vmem>>) dst(%dma_wait3A_19 : memref<10240x128xf32, #tpu.memory_space<vmem_shared>>)
        tpu.yield
      }) : () -> ()
    }
    %scan3A_7 = arith.constant 79 : i32
    %barrier3A_8 = arith.constant 0 : index
    tpu.barrier barrier_id(%barrier3A_8)
    "tpu.region"() ({
      %run_scoped3A = tpu.sem_alloc : memref<!tpu.dma_semaphore, #tpu.memory_space<semaphore_mem>>
      %dma_start3A = arith.constant 0 : i32
      %dma_start3A_9 = tpu.memref_slice %arg5[%arg0, %mul3A_2, %dma_start3A] : memref<2x10240x128xf32, #tpu.memory_space<hbm>> -> memref<1x640x128xf32, #tpu.memory_space<hbm>>
      %dma_start3A_10 = tpu.memref_squeeze %dma_start3A_9 : memref<1x640x128xf32, #tpu.memory_space<hbm>> -> memref<640x128xf32, #tpu.memory_space<hbm>>
      %dma_start3A_11 = arith.constant 0 : i32
      %dma_start3A_12 = tpu.memref_slice %arg8[%mul3A_2, %dma_start3A_11] : memref<10240x128xf32, #tpu.memory_space<vmem_shared>> -> memref<640x128xf32, #tpu.memory_space<vmem_shared>>
      tpu.enqueue_dma source(%dma_start3A_12 : memref<640x128xf32, #tpu.memory_space<vmem_shared>>) target(%dma_start3A_10 : memref<640x128xf32, #tpu.memory_space<hbm>>) target_semaphore(%run_scoped3A : memref<!tpu.dma_semaphore, #tpu.memory_space<semaphore_mem>>)
      %dma_wait3A = arith.constant 0 : i32
      %dma_wait3A_13 = tpu.memref_slice %arg5[%arg0, %mul3A_2, %dma_wait3A] : memref<2x10240x128xf32, #tpu.memory_space<hbm>> -> memref<1x640x128xf32, #tpu.memory_space<hbm>>
      %dma_wait3A_14 = tpu.memref_squeeze %dma_wait3A_13 : memref<1x640x128xf32, #tpu.memory_space<hbm>> -> memref<640x128xf32, #tpu.memory_space<hbm>>
      %dma_wait3A_15 = arith.constant 0 : i32
      %dma_wait3A_16 = tpu.memref_slice %arg8[%mul3A_2, %dma_wait3A_15] : memref<10240x128xf32, #tpu.memory_space<vmem_shared>> -> memref<640x128xf32, #tpu.memory_space<vmem_shared>>
      tpu.wait_dma2 semaphore(%run_scoped3A : memref<!tpu.dma_semaphore, #tpu.memory_space<semaphore_mem>>) src(%dma_wait3A_16 : memref<640x128xf32, #tpu.memory_space<vmem_shared>>) dst(%dma_wait3A_14 : memref<640x128xf32, #tpu.memory_space<hbm>>)
      tpu.yield
    }) : () -> ()
    return
  }
}

#map = affine_map<(d0, d1) -> (0, 0)>
#map1 = affine_map<(d0, d1) -> (0, 0, 0)>
module attributes {stable_mosaic.version = 14 : i64} {
  func.func @_agg_body(%arg0: i32, %arg1: i32, %arg2: memref<10000x128xf32, #tpu.memory_space<hbm>>, %arg3: memref<32x79x128xi32, #tpu.memory_space<hbm>>, %arg4: memref<32x79x128xi32, #tpu.memory_space<hbm>>, %arg5: memref<10240x128xf32, #tpu.memory_space<hbm>>, %arg6: memref<2x10240x128xf32, #tpu.memory_space<hbm>>, %arg7: memref<79x128xi32, #tpu.memory_space<vmem>>, %arg8: memref<79x128xi32, #tpu.memory_space<vmem>>, %arg9: memref<128x128xf32, #tpu.memory_space<vmem>>, %arg10: memref<10240x128xf32, #tpu.memory_space<vmem_shared>>, %arg11: memref<!tpu.dma_semaphore, #tpu.memory_space<semaphore_mem>>) attributes {dimension_semantics = [#tpu.dimension_semantics<core_parallel>, #tpu.dimension_semantics<subcore_parallel>], iteration_bounds = array<i64: 2, 16>, scalar_prefetch = 0 : i64, scratch_operands = 5 : i64, tpu.core_type = #tpu.core_type<sc_vector_subcore>, window_params = [{transform_indices = #map}, {transform_indices = #map1}, {transform_indices = #map1}, {transform_indices = #map}, {transform_indices = #map1}]} {
    %mul3A = arith.constant 2 : i32
    %mul3A_0 = arith.muli %arg1, %mul3A : i32
    %add3A = arith.addi %mul3A_0, %arg0 : i32
    %mul3A_1 = arith.constant 640 : i32
    %mul3A_2 = arith.muli %arg1, %mul3A_1 : i32
    "tpu.region"() ({
      %run_scoped3A = tpu.sem_alloc : memref<!tpu.dma_semaphore, #tpu.memory_space<semaphore_mem>>
      %dma_start3A = arith.constant 0 : i32
      %dma_start3A_9 = tpu.memref_slice %arg10[%mul3A_2, %dma_start3A] : memref<10240x128xf32, #tpu.memory_space<vmem_shared>> -> memref<640x128xf32, #tpu.memory_space<vmem_shared>>
      %dma_start3A_10 = arith.constant 0 : i32
      %dma_start3A_11 = tpu.memref_slice %arg5[%mul3A_2, %dma_start3A_10] : memref<10240x128xf32, #tpu.memory_space<hbm>> -> memref<640x128xf32, #tpu.memory_space<hbm>>
      tpu.enqueue_dma source(%dma_start3A_11 : memref<640x128xf32, #tpu.memory_space<hbm>>) target(%dma_start3A_9 : memref<640x128xf32, #tpu.memory_space<vmem_shared>>) target_semaphore(%run_scoped3A : memref<!tpu.dma_semaphore, #tpu.memory_space<semaphore_mem>>)
      %dma_wait3A = arith.constant 0 : i32
      %dma_wait3A_12 = tpu.memref_slice %arg10[%mul3A_2, %dma_wait3A] : memref<10240x128xf32, #tpu.memory_space<vmem_shared>> -> memref<640x128xf32, #tpu.memory_space<vmem_shared>>
      %dma_wait3A_13 = arith.constant 0 : i32
      %dma_wait3A_14 = tpu.memref_slice %arg5[%mul3A_2, %dma_wait3A_13] : memref<10240x128xf32, #tpu.memory_space<hbm>> -> memref<640x128xf32, #tpu.memory_space<hbm>>
      tpu.wait_dma2 semaphore(%run_scoped3A : memref<!tpu.dma_semaphore, #tpu.memory_space<semaphore_mem>>) src(%dma_wait3A_14 : memref<640x128xf32, #tpu.memory_space<hbm>>) dst(%dma_wait3A_12 : memref<640x128xf32, #tpu.memory_space<vmem_shared>>)
      tpu.yield
    }) : () -> ()
    "tpu.region"() ({
      %run_scoped3A = tpu.sem_alloc : memref<!tpu.dma_semaphore, #tpu.memory_space<semaphore_mem>>
      %dma_start3A = arith.constant 0 : i32
      %dma_start3A_9 = arith.constant 0 : i32
      %dma_start3A_10 = tpu.memref_slice %arg3[%add3A, %dma_start3A, %dma_start3A_9] : memref<32x79x128xi32, #tpu.memory_space<hbm>> -> memref<1x79x128xi32, #tpu.memory_space<hbm>>
      %dma_start3A_11 = tpu.memref_squeeze %dma_start3A_10 : memref<1x79x128xi32, #tpu.memory_space<hbm>> -> memref<79x128xi32, #tpu.memory_space<hbm>>
      %dma_start3A_12 = arith.constant 0 : i32
      %dma_start3A_13 = arith.constant 0 : i32
      %dma_start3A_14 = tpu.memref_slice %arg3[%add3A, %dma_start3A_12, %dma_start3A_13] : memref<32x79x128xi32, #tpu.memory_space<hbm>> -> memref<1x79x128xi32, #tpu.memory_space<hbm>>
      %dma_start3A_15 = tpu.memref_squeeze %dma_start3A_14 : memref<1x79x128xi32, #tpu.memory_space<hbm>> -> memref<79x128xi32, #tpu.memory_space<hbm>>
      tpu.enqueue_dma source(%dma_start3A_15 : memref<79x128xi32, #tpu.memory_space<hbm>>) target(%arg7 : memref<79x128xi32, #tpu.memory_space<vmem>>) target_semaphore(%run_scoped3A : memref<!tpu.dma_semaphore, #tpu.memory_space<semaphore_mem>>)
      %dma_wait3A = arith.constant 0 : i32
      %dma_wait3A_16 = arith.constant 0 : i32
      %dma_wait3A_17 = tpu.memref_slice %arg3[%add3A, %dma_wait3A, %dma_wait3A_16] : memref<32x79x128xi32, #tpu.memory_space<hbm>> -> memref<1x79x128xi32, #tpu.memory_space<hbm>>
      %dma_wait3A_18 = tpu.memref_squeeze %dma_wait3A_17 : memref<1x79x128xi32, #tpu.memory_space<hbm>> -> memref<79x128xi32, #tpu.memory_space<hbm>>
      %dma_wait3A_19 = arith.constant 0 : i32
      %dma_wait3A_20 = arith.constant 0 : i32
      %dma_wait3A_21 = tpu.memref_slice %arg3[%add3A, %dma_wait3A_19, %dma_wait3A_20] : memref<32x79x128xi32, #tpu.memory_space<hbm>> -> memref<1x79x128xi32, #tpu.memory_space<hbm>>
      %dma_wait3A_22 = tpu.memref_squeeze %dma_wait3A_21 : memref<1x79x128xi32, #tpu.memory_space<hbm>> -> memref<79x128xi32, #tpu.memory_space<hbm>>
      tpu.wait_dma2 semaphore(%run_scoped3A : memref<!tpu.dma_semaphore, #tpu.memory_space<semaphore_mem>>) src(%dma_wait3A_22 : memref<79x128xi32, #tpu.memory_space<hbm>>) dst(%arg7 : memref<79x128xi32, #tpu.memory_space<vmem>>)
      tpu.yield
    }) : () -> ()
    "tpu.region"() ({
      %run_scoped3A = tpu.sem_alloc : memref<!tpu.dma_semaphore, #tpu.memory_space<semaphore_mem>>
      %dma_start3A = arith.constant 0 : i32
      %dma_start3A_9 = arith.constant 0 : i32
      %dma_start3A_10 = tpu.memref_slice %arg4[%add3A, %dma_start3A, %dma_start3A_9] : memref<32x79x128xi32, #tpu.memory_space<hbm>> -> memref<1x79x128xi32, #tpu.memory_space<hbm>>
      %dma_start3A_11 = tpu.memref_squeeze %dma_start3A_10 : memref<1x79x128xi32, #tpu.memory_space<hbm>> -> memref<79x128xi32, #tpu.memory_space<hbm>>
      %dma_start3A_12 = arith.constant 0 : i32
      %dma_start3A_13 = arith.constant 0 : i32
      %dma_start3A_14 = tpu.memref_slice %arg4[%add3A, %dma_start3A_12, %dma_start3A_13] : memref<32x79x128xi32, #tpu.memory_space<hbm>> -> memref<1x79x128xi32, #tpu.memory_space<hbm>>
      %dma_start3A_15 = tpu.memref_squeeze %dma_start3A_14 : memref<1x79x128xi32, #tpu.memory_space<hbm>> -> memref<79x128xi32, #tpu.memory_space<hbm>>
      tpu.enqueue_dma source(%dma_start3A_15 : memref<79x128xi32, #tpu.memory_space<hbm>>) target(%arg8 : memref<79x128xi32, #tpu.memory_space<vmem>>) target_semaphore(%run_scoped3A : memref<!tpu.dma_semaphore, #tpu.memory_space<semaphore_mem>>)
      %dma_wait3A = arith.constant 0 : i32
      %dma_wait3A_16 = arith.constant 0 : i32
      %dma_wait3A_17 = tpu.memref_slice %arg4[%add3A, %dma_wait3A, %dma_wait3A_16] : memref<32x79x128xi32, #tpu.memory_space<hbm>> -> memref<1x79x128xi32, #tpu.memory_space<hbm>>
      %dma_wait3A_18 = tpu.memref_squeeze %dma_wait3A_17 : memref<1x79x128xi32, #tpu.memory_space<hbm>> -> memref<79x128xi32, #tpu.memory_space<hbm>>
      %dma_wait3A_19 = arith.constant 0 : i32
      %dma_wait3A_20 = arith.constant 0 : i32
      %dma_wait3A_21 = tpu.memref_slice %arg4[%add3A, %dma_wait3A_19, %dma_wait3A_20] : memref<32x79x128xi32, #tpu.memory_space<hbm>> -> memref<1x79x128xi32, #tpu.memory_space<hbm>>
      %dma_wait3A_22 = tpu.memref_squeeze %dma_wait3A_21 : memref<1x79x128xi32, #tpu.memory_space<hbm>> -> memref<79x128xi32, #tpu.memory_space<hbm>>
      tpu.wait_dma2 semaphore(%run_scoped3A : memref<!tpu.dma_semaphore, #tpu.memory_space<semaphore_mem>>) src(%dma_wait3A_22 : memref<79x128xi32, #tpu.memory_space<hbm>>) dst(%arg8 : memref<79x128xi32, #tpu.memory_space<vmem>>)
      tpu.yield
    }) : () -> ()
    %barrier3A = arith.constant 0 : index
    tpu.barrier barrier_id(%barrier3A)
    %scan3A = arith.constant 0 : i32
    %scan3A_3 = arith.constant 0 : i32
    %scan3A_4 = arith.constant 79 : i32
    %scan3A_5 = arith.addi %scan3A_3, %scan3A_4 : i32
    %scan3A_6 = arith.constant 1 : i32
    scf.for %scan3A_9 = %scan3A_3 to %scan3A_5 step %scan3A_6  : i32 {
      %dma_start3A = arith.constant 0 : i32
      %dma_start3A_10 = tpu.memref_slice %arg7[%scan3A_9, %dma_start3A] : memref<79x128xi32, #tpu.memory_space<vmem>> -> memref<1x128xi32, #tpu.memory_space<vmem>>
      %dma_start3A_11 = tpu.memref_squeeze %dma_start3A_10 : memref<1x128xi32, #tpu.memory_space<vmem>> -> memref<128xi32, #tpu.memory_space<vmem>>
      %dma_start3A_12 = arith.constant 0 : i32
      %dma_start3A_13 = arith.constant 0 : i32
      %dma_start3A_14 = tpu.memref_slice %arg2[%dma_start3A_12, %dma_start3A_13] : memref<10000x128xf32, #tpu.memory_space<hbm>> -> memref<10000x128xf32, #tpu.memory_space<hbm>>
      tpu.enqueue_indirect_dma source(%dma_start3A_14 : memref<10000x128xf32, #tpu.memory_space<hbm>>) target(%arg9 : memref<128x128xf32, #tpu.memory_space<vmem>>) offsets(%dma_start3A_11 : memref<128xi32, #tpu.memory_space<vmem>>) semaphore(%arg11 : memref<!tpu.dma_semaphore, #tpu.memory_space<semaphore_mem>>)
      %dma_wait3A = arith.constant 0 : i32
      %dma_wait3A_15 = tpu.memref_slice %arg7[%scan3A_9, %dma_wait3A] : memref<79x128xi32, #tpu.memory_space<vmem>> -> memref<1x128xi32, #tpu.memory_space<vmem>>
      %dma_wait3A_16 = tpu.memref_squeeze %dma_wait3A_15 : memref<1x128xi32, #tpu.memory_space<vmem>> -> memref<128xi32, #tpu.memory_space<vmem>>
      %dma_wait3A_17 = arith.constant 0 : i32
      %dma_wait3A_18 = arith.constant 0 : i32
      %dma_wait3A_19 = tpu.memref_slice %arg2[%dma_wait3A_17, %dma_wait3A_18] : memref<10000x128xf32, #tpu.memory_space<hbm>> -> memref<10000x128xf32, #tpu.memory_space<hbm>>
      tpu.wait_indirect_dma semaphore(%arg11 : memref<!tpu.dma_semaphore, #tpu.memory_space<semaphore_mem>>) src(%dma_wait3A_19 : memref<10000x128xf32, #tpu.memory_space<hbm>>) dst(%arg9 : memref<128x128xf32, #tpu.memory_space<vmem>>)
      "tpu.region"() ({
        %run_scoped3A = tpu.sem_alloc : memref<!tpu.dma_semaphore, #tpu.memory_space<semaphore_mem>>
        %dma_start3A_20 = arith.constant 0 : i32
        %dma_start3A_21 = tpu.memref_slice %arg8[%scan3A_9, %dma_start3A_20] : memref<79x128xi32, #tpu.memory_space<vmem>> -> memref<1x128xi32, #tpu.memory_space<vmem>>
        %dma_start3A_22 = tpu.memref_squeeze %dma_start3A_21 : memref<1x128xi32, #tpu.memory_space<vmem>> -> memref<128xi32, #tpu.memory_space<vmem>>
        %dma_start3A_23 = arith.constant 0 : i32
        %dma_start3A_24 = arith.constant 0 : i32
        %dma_start3A_25 = tpu.memref_slice %arg10[%dma_start3A_23, %dma_start3A_24] : memref<10240x128xf32, #tpu.memory_space<vmem_shared>> -> memref<10240x128xf32, #tpu.memory_space<vmem_shared>>
        tpu.enqueue_indirect_dma source(%arg9 : memref<128x128xf32, #tpu.memory_space<vmem>>) target(%dma_start3A_25 : memref<10240x128xf32, #tpu.memory_space<vmem_shared>>) offsets(%dma_start3A_22 : memref<128xi32, #tpu.memory_space<vmem>>) semaphore(%run_scoped3A : memref<!tpu.dma_semaphore, #tpu.memory_space<semaphore_mem>>) {add = true}
        %dma_wait3A_26 = arith.constant 0 : i32
        %dma_wait3A_27 = tpu.memref_slice %arg8[%scan3A_9, %dma_wait3A_26] : memref<79x128xi32, #tpu.memory_space<vmem>> -> memref<1x128xi32, #tpu.memory_space<vmem>>
        %dma_wait3A_28 = tpu.memref_squeeze %dma_wait3A_27 : memref<1x128xi32, #tpu.memory_space<vmem>> -> memref<128xi32, #tpu.memory_space<vmem>>
        %dma_wait3A_29 = arith.constant 0 : i32
        %dma_wait3A_30 = arith.constant 0 : i32
        %dma_wait3A_31 = tpu.memref_slice %arg10[%dma_wait3A_29, %dma_wait3A_30] : memref<10240x128xf32, #tpu.memory_space<vmem_shared>> -> memref<10240x128xf32, #tpu.memory_space<vmem_shared>>
        tpu.wait_indirect_dma semaphore(%run_scoped3A : memref<!tpu.dma_semaphore, #tpu.memory_space<semaphore_mem>>) src(%arg9 : memref<128x128xf32, #tpu.memory_space<vmem>>) dst(%dma_wait3A_31 : memref<10240x128xf32, #tpu.memory_space<vmem_shared>>)
        tpu.yield
      }) : () -> ()
    }
    %scan3A_7 = arith.constant 79 : i32
    %barrier3A_8 = arith.constant 0 : index
    tpu.barrier barrier_id(%barrier3A_8)
    "tpu.region"() ({
      %run_scoped3A = tpu.sem_alloc : memref<!tpu.dma_semaphore, #tpu.memory_space<semaphore_mem>>
      %dma_start3A = arith.constant 0 : i32
      %dma_start3A_9 = tpu.memref_slice %arg6[%arg0, %mul3A_2, %dma_start3A] : memref<2x10240x128xf32, #tpu.memory_space<hbm>> -> memref<1x640x128xf32, #tpu.memory_space<hbm>>
      %dma_start3A_10 = tpu.memref_squeeze %dma_start3A_9 : memref<1x640x128xf32, #tpu.memory_space<hbm>> -> memref<640x128xf32, #tpu.memory_space<hbm>>
      %dma_start3A_11 = arith.constant 0 : i32
      %dma_start3A_12 = tpu.memref_slice %arg10[%mul3A_2, %dma_start3A_11] : memref<10240x128xf32, #tpu.memory_space<vmem_shared>> -> memref<640x128xf32, #tpu.memory_space<vmem_shared>>
      tpu.enqueue_dma source(%dma_start3A_12 : memref<640x128xf32, #tpu.memory_space<vmem_shared>>) target(%dma_start3A_10 : memref<640x128xf32, #tpu.memory_space<hbm>>) target_semaphore(%run_scoped3A : memref<!tpu.dma_semaphore, #tpu.memory_space<semaphore_mem>>)
      %dma_wait3A = arith.constant 0 : i32
      %dma_wait3A_13 = tpu.memref_slice %arg6[%arg0, %mul3A_2, %dma_wait3A] : memref<2x10240x128xf32, #tpu.memory_space<hbm>> -> memref<1x640x128xf32, #tpu.memory_space<hbm>>
      %dma_wait3A_14 = tpu.memref_squeeze %dma_wait3A_13 : memref<1x640x128xf32, #tpu.memory_space<hbm>> -> memref<640x128xf32, #tpu.memory_space<hbm>>
      %dma_wait3A_15 = arith.constant 0 : i32
      %dma_wait3A_16 = tpu.memref_slice %arg10[%mul3A_2, %dma_wait3A_15] : memref<10240x128xf32, #tpu.memory_space<vmem_shared>> -> memref<640x128xf32, #tpu.memory_space<vmem_shared>>
      tpu.wait_dma2 semaphore(%run_scoped3A : memref<!tpu.dma_semaphore, #tpu.memory_space<semaphore_mem>>) src(%dma_wait3A_16 : memref<640x128xf32, #tpu.memory_space<vmem_shared>>) dst(%dma_wait3A_14 : memref<640x128xf32, #tpu.memory_space<hbm>>)
      tpu.yield
    }) : () -> ()
    return
  }
}

#map = affine_map<(d0, d1) -> (0, 0)>
#map1 = affine_map<(d0, d1) -> (0, 0, 0)>
module attributes {stable_mosaic.version = 14 : i64} {
  func.func @_agg_body(%arg0: i32, %arg1: i32, %arg2: memref<10000x128xf32, #tpu.memory_space<hbm>>, %arg3: memref<32x79x128xi32, #tpu.memory_space<hbm>>, %arg4: memref<32x79x128xi32, #tpu.memory_space<hbm>>, %arg5: memref<10240x128xf32, #tpu.memory_space<hbm>>, %arg6: memref<2x10240x128xf32, #tpu.memory_space<hbm>>, %arg7: memref<79x128xi32, #tpu.memory_space<vmem>>, %arg8: memref<79x128xi32, #tpu.memory_space<vmem>>, %arg9: memref<128x128xf32, #tpu.memory_space<vmem>>, %arg10: memref<10240x128xf32, #tpu.memory_space<vmem_shared>>, %arg11: memref<!tpu.dma_semaphore, #tpu.memory_space<semaphore_mem>>) attributes {dimension_semantics = [#tpu.dimension_semantics<core_parallel>, #tpu.dimension_semantics<subcore_parallel>], iteration_bounds = array<i64: 2, 16>, scalar_prefetch = 0 : i64, scratch_operands = 5 : i64, tpu.core_type = #tpu.core_type<sc_vector_subcore>, window_params = [{transform_indices = #map}, {transform_indices = #map1}, {transform_indices = #map1}, {transform_indices = #map}, {transform_indices = #map1}]} {
    %mul3A = arith.constant 2 : i32
    %mul3A_0 = arith.muli %arg1, %mul3A : i32
    %add3A = arith.addi %mul3A_0, %arg0 : i32
    %mul3A_1 = arith.constant 640 : i32
    %mul3A_2 = arith.muli %arg1, %mul3A_1 : i32
    "tpu.region"() ({
      %run_scoped3A = tpu.sem_alloc : memref<!tpu.dma_semaphore, #tpu.memory_space<semaphore_mem>>
      %dma_start3A = arith.constant 0 : i32
      %dma_start3A_9 = tpu.memref_slice %arg10[%mul3A_2, %dma_start3A] : memref<10240x128xf32, #tpu.memory_space<vmem_shared>> -> memref<640x128xf32, #tpu.memory_space<vmem_shared>>
      %dma_start3A_10 = arith.constant 0 : i32
      %dma_start3A_11 = tpu.memref_slice %arg5[%mul3A_2, %dma_start3A_10] : memref<10240x128xf32, #tpu.memory_space<hbm>> -> memref<640x128xf32, #tpu.memory_space<hbm>>
      tpu.enqueue_dma source(%dma_start3A_11 : memref<640x128xf32, #tpu.memory_space<hbm>>) target(%dma_start3A_9 : memref<640x128xf32, #tpu.memory_space<vmem_shared>>) target_semaphore(%run_scoped3A : memref<!tpu.dma_semaphore, #tpu.memory_space<semaphore_mem>>)
      %dma_wait3A = arith.constant 0 : i32
      %dma_wait3A_12 = tpu.memref_slice %arg10[%mul3A_2, %dma_wait3A] : memref<10240x128xf32, #tpu.memory_space<vmem_shared>> -> memref<640x128xf32, #tpu.memory_space<vmem_shared>>
      %dma_wait3A_13 = arith.constant 0 : i32
      %dma_wait3A_14 = tpu.memref_slice %arg5[%mul3A_2, %dma_wait3A_13] : memref<10240x128xf32, #tpu.memory_space<hbm>> -> memref<640x128xf32, #tpu.memory_space<hbm>>
      tpu.wait_dma2 semaphore(%run_scoped3A : memref<!tpu.dma_semaphore, #tpu.memory_space<semaphore_mem>>) src(%dma_wait3A_14 : memref<640x128xf32, #tpu.memory_space<hbm>>) dst(%dma_wait3A_12 : memref<640x128xf32, #tpu.memory_space<vmem_shared>>)
      tpu.yield
    }) : () -> ()
    "tpu.region"() ({
      %run_scoped3A = tpu.sem_alloc : memref<!tpu.dma_semaphore, #tpu.memory_space<semaphore_mem>>
      %dma_start3A = arith.constant 0 : i32
      %dma_start3A_9 = arith.constant 0 : i32
      %dma_start3A_10 = tpu.memref_slice %arg3[%add3A, %dma_start3A, %dma_start3A_9] : memref<32x79x128xi32, #tpu.memory_space<hbm>> -> memref<1x79x128xi32, #tpu.memory_space<hbm>>
      %dma_start3A_11 = tpu.memref_squeeze %dma_start3A_10 : memref<1x79x128xi32, #tpu.memory_space<hbm>> -> memref<79x128xi32, #tpu.memory_space<hbm>>
      %dma_start3A_12 = arith.constant 0 : i32
      %dma_start3A_13 = arith.constant 0 : i32
      %dma_start3A_14 = tpu.memref_slice %arg3[%add3A, %dma_start3A_12, %dma_start3A_13] : memref<32x79x128xi32, #tpu.memory_space<hbm>> -> memref<1x79x128xi32, #tpu.memory_space<hbm>>
      %dma_start3A_15 = tpu.memref_squeeze %dma_start3A_14 : memref<1x79x128xi32, #tpu.memory_space<hbm>> -> memref<79x128xi32, #tpu.memory_space<hbm>>
      tpu.enqueue_dma source(%dma_start3A_15 : memref<79x128xi32, #tpu.memory_space<hbm>>) target(%arg7 : memref<79x128xi32, #tpu.memory_space<vmem>>) target_semaphore(%run_scoped3A : memref<!tpu.dma_semaphore, #tpu.memory_space<semaphore_mem>>)
      %dma_wait3A = arith.constant 0 : i32
      %dma_wait3A_16 = arith.constant 0 : i32
      %dma_wait3A_17 = tpu.memref_slice %arg3[%add3A, %dma_wait3A, %dma_wait3A_16] : memref<32x79x128xi32, #tpu.memory_space<hbm>> -> memref<1x79x128xi32, #tpu.memory_space<hbm>>
      %dma_wait3A_18 = tpu.memref_squeeze %dma_wait3A_17 : memref<1x79x128xi32, #tpu.memory_space<hbm>> -> memref<79x128xi32, #tpu.memory_space<hbm>>
      %dma_wait3A_19 = arith.constant 0 : i32
      %dma_wait3A_20 = arith.constant 0 : i32
      %dma_wait3A_21 = tpu.memref_slice %arg3[%add3A, %dma_wait3A_19, %dma_wait3A_20] : memref<32x79x128xi32, #tpu.memory_space<hbm>> -> memref<1x79x128xi32, #tpu.memory_space<hbm>>
      %dma_wait3A_22 = tpu.memref_squeeze %dma_wait3A_21 : memref<1x79x128xi32, #tpu.memory_space<hbm>> -> memref<79x128xi32, #tpu.memory_space<hbm>>
      tpu.wait_dma2 semaphore(%run_scoped3A : memref<!tpu.dma_semaphore, #tpu.memory_space<semaphore_mem>>) src(%dma_wait3A_22 : memref<79x128xi32, #tpu.memory_space<hbm>>) dst(%arg7 : memref<79x128xi32, #tpu.memory_space<vmem>>)
      tpu.yield
    }) : () -> ()
    "tpu.region"() ({
      %run_scoped3A = tpu.sem_alloc : memref<!tpu.dma_semaphore, #tpu.memory_space<semaphore_mem>>
      %dma_start3A = arith.constant 0 : i32
      %dma_start3A_9 = arith.constant 0 : i32
      %dma_start3A_10 = tpu.memref_slice %arg4[%add3A, %dma_start3A, %dma_start3A_9] : memref<32x79x128xi32, #tpu.memory_space<hbm>> -> memref<1x79x128xi32, #tpu.memory_space<hbm>>
      %dma_start3A_11 = tpu.memref_squeeze %dma_start3A_10 : memref<1x79x128xi32, #tpu.memory_space<hbm>> -> memref<79x128xi32, #tpu.memory_space<hbm>>
      %dma_start3A_12 = arith.constant 0 : i32
      %dma_start3A_13 = arith.constant 0 : i32
      %dma_start3A_14 = tpu.memref_slice %arg4[%add3A, %dma_start3A_12, %dma_start3A_13] : memref<32x79x128xi32, #tpu.memory_space<hbm>> -> memref<1x79x128xi32, #tpu.memory_space<hbm>>
      %dma_start3A_15 = tpu.memref_squeeze %dma_start3A_14 : memref<1x79x128xi32, #tpu.memory_space<hbm>> -> memref<79x128xi32, #tpu.memory_space<hbm>>
      tpu.enqueue_dma source(%dma_start3A_15 : memref<79x128xi32, #tpu.memory_space<hbm>>) target(%arg8 : memref<79x128xi32, #tpu.memory_space<vmem>>) target_semaphore(%run_scoped3A : memref<!tpu.dma_semaphore, #tpu.memory_space<semaphore_mem>>)
      %dma_wait3A = arith.constant 0 : i32
      %dma_wait3A_16 = arith.constant 0 : i32
      %dma_wait3A_17 = tpu.memref_slice %arg4[%add3A, %dma_wait3A, %dma_wait3A_16] : memref<32x79x128xi32, #tpu.memory_space<hbm>> -> memref<1x79x128xi32, #tpu.memory_space<hbm>>
      %dma_wait3A_18 = tpu.memref_squeeze %dma_wait3A_17 : memref<1x79x128xi32, #tpu.memory_space<hbm>> -> memref<79x128xi32, #tpu.memory_space<hbm>>
      %dma_wait3A_19 = arith.constant 0 : i32
      %dma_wait3A_20 = arith.constant 0 : i32
      %dma_wait3A_21 = tpu.memref_slice %arg4[%add3A, %dma_wait3A_19, %dma_wait3A_20] : memref<32x79x128xi32, #tpu.memory_space<hbm>> -> memref<1x79x128xi32, #tpu.memory_space<hbm>>
      %dma_wait3A_22 = tpu.memref_squeeze %dma_wait3A_21 : memref<1x79x128xi32, #tpu.memory_space<hbm>> -> memref<79x128xi32, #tpu.memory_space<hbm>>
      tpu.wait_dma2 semaphore(%run_scoped3A : memref<!tpu.dma_semaphore, #tpu.memory_space<semaphore_mem>>) src(%dma_wait3A_22 : memref<79x128xi32, #tpu.memory_space<hbm>>) dst(%arg8 : memref<79x128xi32, #tpu.memory_space<vmem>>)
      tpu.yield
    }) : () -> ()
    %barrier3A = arith.constant 0 : index
    tpu.barrier barrier_id(%barrier3A)
    %scan3A = arith.constant 0 : i32
    %scan3A_3 = arith.constant 0 : i32
    %scan3A_4 = arith.constant 79 : i32
    %scan3A_5 = arith.addi %scan3A_3, %scan3A_4 : i32
    %scan3A_6 = arith.constant 1 : i32
    scf.for %scan3A_9 = %scan3A_3 to %scan3A_5 step %scan3A_6  : i32 {
      %dma_start3A = arith.constant 0 : i32
      %dma_start3A_10 = tpu.memref_slice %arg7[%scan3A_9, %dma_start3A] : memref<79x128xi32, #tpu.memory_space<vmem>> -> memref<1x128xi32, #tpu.memory_space<vmem>>
      %dma_start3A_11 = tpu.memref_squeeze %dma_start3A_10 : memref<1x128xi32, #tpu.memory_space<vmem>> -> memref<128xi32, #tpu.memory_space<vmem>>
      %dma_start3A_12 = arith.constant 0 : i32
      %dma_start3A_13 = arith.constant 0 : i32
      %dma_start3A_14 = tpu.memref_slice %arg2[%dma_start3A_12, %dma_start3A_13] : memref<10000x128xf32, #tpu.memory_space<hbm>> -> memref<10000x128xf32, #tpu.memory_space<hbm>>
      tpu.enqueue_indirect_dma source(%dma_start3A_14 : memref<10000x128xf32, #tpu.memory_space<hbm>>) target(%arg9 : memref<128x128xf32, #tpu.memory_space<vmem>>) offsets(%dma_start3A_11 : memref<128xi32, #tpu.memory_space<vmem>>) semaphore(%arg11 : memref<!tpu.dma_semaphore, #tpu.memory_space<semaphore_mem>>)
      %dma_wait3A = arith.constant 0 : i32
      %dma_wait3A_15 = tpu.memref_slice %arg7[%scan3A_9, %dma_wait3A] : memref<79x128xi32, #tpu.memory_space<vmem>> -> memref<1x128xi32, #tpu.memory_space<vmem>>
      %dma_wait3A_16 = tpu.memref_squeeze %dma_wait3A_15 : memref<1x128xi32, #tpu.memory_space<vmem>> -> memref<128xi32, #tpu.memory_space<vmem>>
      %dma_wait3A_17 = arith.constant 0 : i32
      %dma_wait3A_18 = arith.constant 0 : i32
      %dma_wait3A_19 = tpu.memref_slice %arg2[%dma_wait3A_17, %dma_wait3A_18] : memref<10000x128xf32, #tpu.memory_space<hbm>> -> memref<10000x128xf32, #tpu.memory_space<hbm>>
      tpu.wait_indirect_dma semaphore(%arg11 : memref<!tpu.dma_semaphore, #tpu.memory_space<semaphore_mem>>) src(%dma_wait3A_19 : memref<10000x128xf32, #tpu.memory_space<hbm>>) dst(%arg9 : memref<128x128xf32, #tpu.memory_space<vmem>>)
      "tpu.region"() ({
        %run_scoped3A = tpu.sem_alloc : memref<!tpu.dma_semaphore, #tpu.memory_space<semaphore_mem>>
        %dma_start3A_20 = arith.constant 0 : i32
        %dma_start3A_21 = tpu.memref_slice %arg8[%scan3A_9, %dma_start3A_20] : memref<79x128xi32, #tpu.memory_space<vmem>> -> memref<1x128xi32, #tpu.memory_space<vmem>>
        %dma_start3A_22 = tpu.memref_squeeze %dma_start3A_21 : memref<1x128xi32, #tpu.memory_space<vmem>> -> memref<128xi32, #tpu.memory_space<vmem>>
        %dma_start3A_23 = arith.constant 0 : i32
        %dma_start3A_24 = arith.constant 0 : i32
        %dma_start3A_25 = tpu.memref_slice %arg10[%dma_start3A_23, %dma_start3A_24] : memref<10240x128xf32, #tpu.memory_space<vmem_shared>> -> memref<10240x128xf32, #tpu.memory_space<vmem_shared>>
        tpu.enqueue_indirect_dma source(%arg9 : memref<128x128xf32, #tpu.memory_space<vmem>>) target(%dma_start3A_25 : memref<10240x128xf32, #tpu.memory_space<vmem_shared>>) offsets(%dma_start3A_22 : memref<128xi32, #tpu.memory_space<vmem>>) semaphore(%run_scoped3A : memref<!tpu.dma_semaphore, #tpu.memory_space<semaphore_mem>>) {add = true}
        %dma_wait3A_26 = arith.constant 0 : i32
        %dma_wait3A_27 = tpu.memref_slice %arg8[%scan3A_9, %dma_wait3A_26] : memref<79x128xi32, #tpu.memory_space<vmem>> -> memref<1x128xi32, #tpu.memory_space<vmem>>
        %dma_wait3A_28 = tpu.memref_squeeze %dma_wait3A_27 : memref<1x128xi32, #tpu.memory_space<vmem>> -> memref<128xi32, #tpu.memory_space<vmem>>
        %dma_wait3A_29 = arith.constant 0 : i32
        %dma_wait3A_30 = arith.constant 0 : i32
        %dma_wait3A_31 = tpu.memref_slice %arg10[%dma_wait3A_29, %dma_wait3A_30] : memref<10240x128xf32, #tpu.memory_space<vmem_shared>> -> memref<10240x128xf32, #tpu.memory_space<vmem_shared>>
        tpu.wait_indirect_dma semaphore(%run_scoped3A : memref<!tpu.dma_semaphore, #tpu.memory_space<semaphore_mem>>) src(%arg9 : memref<128x128xf32, #tpu.memory_space<vmem>>) dst(%dma_wait3A_31 : memref<10240x128xf32, #tpu.memory_space<vmem_shared>>)
        tpu.yield
      }) : () -> ()
    }
    %scan3A_7 = arith.constant 79 : i32
    %barrier3A_8 = arith.constant 0 : index
    tpu.barrier barrier_id(%barrier3A_8)
    "tpu.region"() ({
      %run_scoped3A = tpu.sem_alloc : memref<!tpu.dma_semaphore, #tpu.memory_space<semaphore_mem>>
      %dma_start3A = arith.constant 0 : i32
      %dma_start3A_9 = tpu.memref_slice %arg6[%arg0, %mul3A_2, %dma_start3A] : memref<2x10240x128xf32, #tpu.memory_space<hbm>> -> memref<1x640x128xf32, #tpu.memory_space<hbm>>
      %dma_start3A_10 = tpu.memref_squeeze %dma_start3A_9 : memref<1x640x128xf32, #tpu.memory_space<hbm>> -> memref<640x128xf32, #tpu.memory_space<hbm>>
      %dma_start3A_11 = arith.constant 0 : i32
      %dma_start3A_12 = tpu.memref_slice %arg10[%mul3A_2, %dma_start3A_11] : memref<10240x128xf32, #tpu.memory_space<vmem_shared>> -> memref<640x128xf32, #tpu.memory_space<vmem_shared>>
      tpu.enqueue_dma source(%dma_start3A_12 : memref<640x128xf32, #tpu.memory_space<vmem_shared>>) target(%dma_start3A_10 : memref<640x128xf32, #tpu.memory_space<hbm>>) target_semaphore(%run_scoped3A : memref<!tpu.dma_semaphore, #tpu.memory_space<semaphore_mem>>)
      %dma_wait3A = arith.constant 0 : i32
      %dma_wait3A_13 = tpu.memref_slice %arg6[%arg0, %mul3A_2, %dma_wait3A] : memref<2x10240x128xf32, #tpu.memory_space<hbm>> -> memref<1x640x128xf32, #tpu.memory_space<hbm>>
      %dma_wait3A_14 = tpu.memref_squeeze %dma_wait3A_13 : memref<1x640x128xf32, #tpu.memory_space<hbm>> -> memref<640x128xf32, #tpu.memory_space<hbm>>
      %dma_wait3A_15 = arith.constant 0 : i32
      %dma_wait3A_16 = tpu.memref_slice %arg10[%mul3A_2, %dma_wait3A_15] : memref<10240x128xf32, #tpu.memory_space<vmem_shared>> -> memref<640x128xf32, #tpu.memory_space<vmem_shared>>
      tpu.wait_dma2 semaphore(%run_scoped3A : memref<!tpu.dma_semaphore, #tpu.memory_space<semaphore_mem>>) src(%dma_wait3A_16 : memref<640x128xf32, #tpu.memory_space<vmem_shared>>) dst(%dma_wait3A_14 : memref<640x128xf32, #tpu.memory_space<hbm>>)
      tpu.yield
    }) : () -> ()
    return
  }
}

module attributes {stable_mosaic.version = 14 : i64} {
  func.func @_k1_body(%arg0: i32, %arg1: memref<1000x128xf32, #tpu.memory_space<vmem>>, %arg2: memref<128x128xf32, #tpu.memory_space<vmem>>, %arg3: memref<1000x1xf32, #tpu.memory_space<vmem>>, %arg4: memref<1000x1xf32, #tpu.memory_space<vmem>>, %arg5: memref<1000x128xf32, #tpu.memory_space<vmem>>, %arg6: memref<1000x1xf32, #tpu.memory_space<vmem>>) attributes {dimension_semantics = [#tpu.dimension_semantics<arbitrary>], iteration_bounds = array<i64: 10>, scalar_prefetch = 0 : i64, scratch_operands = 0 : i64, tpu.core_type = #tpu.core_type<tc>, window_params = [{transform_indices = @transform_0, window_bounds = array<i64: 1000, 128>}, {pipeline_mode = #tpu.pipeline_mode<synchronous>, transform_indices = @transform_1, window_bounds = array<i64: 128, 128>}, {transform_indices = @transform_2, window_bounds = array<i64: 1000, 1>}, {transform_indices = @transform_3, window_bounds = array<i64: 1000, 1>}, {transform_indices = @transform_4, window_bounds = array<i64: 1000, 128>}, {transform_indices = @transform_5, window_bounds = array<i64: 1000, 1>}]} {
    %get3A = arith.constant 0 : index
    %get3A_0 = arith.constant 0 : index
    %get3A_1 = vector.load %arg3[%get3A, %get3A_0] : memref<1000x1xf32, #tpu.memory_space<vmem>>, vector<1000x1xf32>
    %get3A_2 = arith.constant 0 : index
    %get3A_3 = arith.constant 0 : index
    %get3A_4 = vector.load %arg4[%get3A_2, %get3A_3] : memref<1000x1xf32, #tpu.memory_space<vmem>>, vector<1000x1xf32>
    %add3A = arith.addf %get3A_1, %get3A_4 : vector<1000x1xf32>
    %add3A_5 = arith.constant 1.000000e+00 : f32
    %add3A_6 = vector.broadcast %add3A_5 : f32 to vector<1000x1xf32>
    %add3A_7 = arith.addf %add3A, %add3A_6 : vector<1000x1xf32>
    %rsqrt3A = math.rsqrt %add3A_7 : vector<1000x1xf32>
    %get3A_8 = arith.constant 0 : index
    %get3A_9 = arith.constant 0 : index
    %get3A_10 = vector.load %arg1[%get3A_8, %get3A_9] : memref<1000x128xf32, #tpu.memory_space<vmem>>, vector<1000x128xf32>
    %get3A_11 = arith.constant 0 : index
    %get3A_12 = arith.constant 0 : index
    %get3A_13 = vector.load %arg2[%get3A_11, %get3A_12] : memref<128x128xf32, #tpu.memory_space<vmem>>, vector<128x128xf32>
    %dot_general3A = arith.constant dense<0.000000e+00> : vector<1000x128xf32>
    %dot_general3A_14 = tpu.matmul %get3A_10, %get3A_13, %dot_general3A {dimension_numbers = #tpu.dot_dimension_numbers<[1], [0], [0], [1], [0, 0, 1, 1], [], []>, transpose_lhs_hint = false} : vector<1000x128xf32>, vector<128x128xf32>, vector<1000x128xf32> -> vector<1000x128xf32>
    %mul3A = vector.broadcast %rsqrt3A : vector<1000x1xf32> to vector<1000x128xf32>
    %mul3A_15 = arith.mulf %dot_general3A_14, %mul3A : vector<1000x128xf32>
    %swap3A = arith.constant 0 : index
    %swap3A_16 = arith.constant 0 : index
    %swap3A_17 = vector.load %arg5[%swap3A, %swap3A_16] : memref<1000x128xf32, #tpu.memory_space<vmem>>, vector<1000x128xf32>
    tpu.vector_store %arg5[%swap3A, %swap3A_16], %mul3A_15 {strides = array<i32>} : memref<1000x128xf32, #tpu.memory_space<vmem>>, vector<1000x128xf32>,
    %swap3A_18 = arith.constant 0 : index
    %swap3A_19 = arith.constant 0 : index
    %swap3A_20 = vector.load %arg6[%swap3A_18, %swap3A_19] : memref<1000x1xf32, #tpu.memory_space<vmem>>, vector<1000x1xf32>
    tpu.vector_store %arg6[%swap3A_18, %swap3A_19], %rsqrt3A {strides = array<i32>} : memref<1000x1xf32, #tpu.memory_space<vmem>>, vector<1000x1xf32>,
    return
  }
  func.func @transform_0(%arg0: i32) -> (i32, i32) {
    %c0_i32 = arith.constant 0 : i32
    %c0_i32_0 = arith.constant 0 : i32
    return %arg0, %c0_i32 : i32, i32
  }
  func.func @transform_1(%arg0: i32) -> (i32, i32) {
    %c0_i32 = arith.constant 0 : i32
    %c0_i32_0 = arith.constant 0 : i32
    %c0_i32_1 = arith.constant 0 : i32
    return %c0_i32, %c0_i32_0 : i32, i32
  }
  func.func @transform_2(%arg0: i32) -> (i32, i32) {
    %c0_i32 = arith.constant 0 : i32
    %c0_i32_0 = arith.constant 0 : i32
    return %arg0, %c0_i32 : i32, i32
  }
  func.func @transform_3(%arg0: i32) -> (i32, i32) {
    %c0_i32 = arith.constant 0 : i32
    %c0_i32_0 = arith.constant 0 : i32
    return %arg0, %c0_i32 : i32, i32
  }
  func.func @transform_4(%arg0: i32) -> (i32, i32) {
    %c0_i32 = arith.constant 0 : i32
    %c0_i32_0 = arith.constant 0 : i32
    return %arg0, %c0_i32 : i32, i32
  }
  func.func @transform_5(%arg0: i32) -> (i32, i32) {
    %c0_i32 = arith.constant 0 : i32
    %c0_i32_0 = arith.constant 0 : i32
    return %arg0, %c0_i32 : i32, i32
  }
}

module attributes {stable_mosaic.version = 14 : i64} {
  func.func @_k2_body(%arg0: i32, %arg1: memref<1000x128xf32, #tpu.memory_space<vmem>>, %arg2: memref<1000x128xf32, #tpu.memory_space<vmem>>, %arg3: memref<1000x128xf32, #tpu.memory_space<vmem>>, %arg4: memref<1000x1xf32, #tpu.memory_space<vmem>>, %arg5: memref<1x128xf32, #tpu.memory_space<vmem>>, %arg6: memref<128x128xf32, #tpu.memory_space<vmem>>, %arg7: memref<1000x128xf32, #tpu.memory_space<vmem>>) attributes {dimension_semantics = [#tpu.dimension_semantics<arbitrary>], iteration_bounds = array<i64: 10>, scalar_prefetch = 0 : i64, scratch_operands = 0 : i64, tpu.core_type = #tpu.core_type<tc>, window_params = [{transform_indices = @transform_0, window_bounds = array<i64: 1000, 128>}, {transform_indices = @transform_1, window_bounds = array<i64: 1000, 128>}, {transform_indices = @transform_2, window_bounds = array<i64: 1000, 128>}, {transform_indices = @transform_3, window_bounds = array<i64: 1000, 1>}, {pipeline_mode = #tpu.pipeline_mode<synchronous>, transform_indices = @transform_4, window_bounds = array<i64: 1, 128>}, {pipeline_mode = #tpu.pipeline_mode<synchronous>, transform_indices = @transform_5, window_bounds = array<i64: 128, 128>}, {transform_indices = @transform_6, window_bounds = array<i64: 1000, 128>}]} {
    %get3A = arith.constant 0 : index
    %get3A_0 = arith.constant 0 : index
    %get3A_1 = vector.load %arg4[%get3A, %get3A_0] : memref<1000x1xf32, #tpu.memory_space<vmem>>, vector<1000x1xf32>
    %get3A_2 = arith.constant 0 : index
    %get3A_3 = arith.constant 0 : index
    %get3A_4 = vector.load %arg1[%get3A_2, %get3A_3] : memref<1000x128xf32, #tpu.memory_space<vmem>>, vector<1000x128xf32>
    %get3A_5 = arith.constant 0 : index
    %get3A_6 = arith.constant 0 : index
    %get3A_7 = vector.load %arg2[%get3A_5, %get3A_6] : memref<1000x128xf32, #tpu.memory_space<vmem>>, vector<1000x128xf32>
    %add3A = arith.addf %get3A_4, %get3A_7 : vector<1000x128xf32>
    %get3A_8 = arith.constant 0 : index
    %get3A_9 = arith.constant 0 : index
    %get3A_10 = vector.load %arg3[%get3A_8, %get3A_9] : memref<1000x128xf32, #tpu.memory_space<vmem>>, vector<1000x128xf32>
    %add3A_11 = arith.addf %add3A, %get3A_10 : vector<1000x128xf32>
    %mul3A = vector.broadcast %get3A_1 : vector<1000x1xf32> to vector<1000x128xf32>
    %mul3A_12 = arith.mulf %mul3A, %add3A_11 : vector<1000x128xf32>
    %get3A_13 = arith.constant 0 : index
    %get3A_14 = arith.constant 0 : index
    %get3A_15 = vector.load %arg5[%get3A_13, %get3A_14] : memref<1x128xf32, #tpu.memory_space<vmem>>, vector<1x128xf32>
    %add3A_16 = vector.broadcast %get3A_15 : vector<1x128xf32> to vector<1000x128xf32>
    %add3A_17 = arith.addf %mul3A_12, %add3A_16 : vector<1000x128xf32>
    %get3A_18 = arith.constant 0 : index
    %get3A_19 = arith.constant 0 : index
    %get3A_20 = vector.load %arg6[%get3A_18, %get3A_19] : memref<128x128xf32, #tpu.memory_space<vmem>>, vector<128x128xf32>
    %dot_general3A = arith.constant dense<0.000000e+00> : vector<1000x128xf32>
    %dot_general3A_21 = tpu.matmul %add3A_17, %get3A_20, %dot_general3A {dimension_numbers = #tpu.dot_dimension_numbers<[1], [0], [0], [1], [0, 0, 1, 1], [], []>, transpose_lhs_hint = false} : vector<1000x128xf32>, vector<128x128xf32>, vector<1000x128xf32> -> vector<1000x128xf32>
    %get3A_22 = arith.constant 0 : index
    %get3A_23 = arith.constant 0 : index
    %get3A_24 = vector.load %arg4[%get3A_22, %get3A_23] : memref<1000x1xf32, #tpu.memory_space<vmem>>, vector<1000x1xf32>
    %mul3A_25 = vector.broadcast %get3A_24 : vector<1000x1xf32> to vector<1000x128xf32>
    %mul3A_26 = arith.mulf %mul3A_25, %dot_general3A_21 : vector<1000x128xf32>
    %swap3A = arith.constant 0 : index
    %swap3A_27 = arith.constant 0 : index
    %swap3A_28 = vector.load %arg7[%swap3A, %swap3A_27] : memref<1000x128xf32, #tpu.memory_space<vmem>>, vector<1000x128xf32>
    tpu.vector_store %arg7[%swap3A, %swap3A_27], %mul3A_26 {strides = array<i32>} : memref<1000x128xf32, #tpu.memory_space<vmem>>, vector<1000x128xf32>,
    return
  }
  func.func @transform_0(%arg0: i32) -> (i32, i32) {
    %c0_i32 = arith.constant 0 : i32
    %c0_i32_0 = arith.constant 0 : i32
    return %arg0, %c0_i32 : i32, i32
  }
  func.func @transform_1(%arg0: i32) -> (i32, i32) {
    %c0_i32 = arith.constant 0 : i32
    %c0_i32_0 = arith.constant 0 : i32
    return %arg0, %c0_i32 : i32, i32
  }
  func.func @transform_2(%arg0: i32) -> (i32, i32) {
    %c0_i32 = arith.constant 0 : i32
    %c0_i32_0 = arith.constant 0 : i32
    return %arg0, %c0_i32 : i32, i32
  }
  func.func @transform_3(%arg0: i32) -> (i32, i32) {
    %c0_i32 = arith.constant 0 : i32
    %c0_i32_0 = arith.constant 0 : i32
    return %arg0, %c0_i32 : i32, i32
  }
  func.func @transform_4(%arg0: i32) -> (i32, i32) {
    %c0_i32 = arith.constant 0 : i32
    %c0_i32_0 = arith.constant 0 : i32
    %c0_i32_1 = arith.constant 0 : i32
    return %c0_i32, %c0_i32_0 : i32, i32
  }
  func.func @transform_5(%arg0: i32) -> (i32, i32) {
    %c0_i32 = arith.constant 0 : i32
    %c0_i32_0 = arith.constant 0 : i32
    %c0_i32_1 = arith.constant 0 : i32
    return %c0_i32, %c0_i32_0 : i32, i32
  }
  func.func @transform_6(%arg0: i32) -> (i32, i32) {
    %c0_i32 = arith.constant 0 : i32
    %c0_i32_0 = arith.constant 0 : i32
    return %arg0, %c0_i32 : i32, i32
  }
}

module attributes {stable_mosaic.version = 14 : i64} {
  func.func @_k4_body(%arg0: i32, %arg1: memref<400x384xf32, #tpu.memory_space<vmem>>, %arg2: memref<128x384xf32, #tpu.memory_space<vmem>>, %arg3: memref<1x384xf32, #tpu.memory_space<vmem>>, %arg4: memref<128x1xf32, #tpu.memory_space<vmem>>, %arg5: memref<1x1xf32, #tpu.memory_space<vmem>>, %arg6: memref<400x1xf32, #tpu.memory_space<vmem>>, %arg7: memref<1x128xf32, #tpu.memory_space<vmem>>, %arg8: memref<400x128xf32, #tpu.memory_space<vmem>>) attributes {dimension_semantics = [#tpu.dimension_semantics<arbitrary>], iteration_bounds = array<i64: 25>, scalar_prefetch = 0 : i64, scratch_operands = 2 : i64, tpu.core_type = #tpu.core_type<tc>, window_params = [{transform_indices = @transform_0, window_bounds = array<i64: 400, 384>}, {pipeline_mode = #tpu.pipeline_mode<synchronous>, transform_indices = @transform_1, window_bounds = array<i64: 128, 384>}, {pipeline_mode = #tpu.pipeline_mode<synchronous>, transform_indices = @transform_2, window_bounds = array<i64: 1, 384>}, {pipeline_mode = #tpu.pipeline_mode<synchronous>, transform_indices = @transform_3, window_bounds = array<i64: 128, 1>}, {pipeline_mode = #tpu.pipeline_mode<synchronous>, transform_indices = @transform_4, window_bounds = array<i64: 1, 1>}, {transform_indices = @transform_5, window_bounds = array<i64: 400, 1>}]} {
    %eq3A = arith.constant 0 : i32
    %eq3A_0 = arith.cmpi eq, %arg0, %eq3A : i32
    %convert_element_type3A = arith.extui %eq3A_0 : i1 to i32
    %cond3A = arith.constant 0 : i32
    %cond3A_1 = arith.cmpi ne, %convert_element_type3A, %cond3A : i32
    scf.if %cond3A_1 {
      %broadcast_in_dim3A = arith.constant 0.000000e+00 : f32
      %broadcast_in_dim3A_31 = vector.broadcast %broadcast_in_dim3A : f32 to vector<1x128xf32>
      %swap3A_32 = arith.constant 0 : index
      %swap3A_33 = arith.constant 0 : index
      %swap3A_34 = vector.load %arg7[%swap3A_32, %swap3A_33] : memref<1x128xf32, #tpu.memory_space<vmem>>, vector<1x128xf32>
      tpu.vector_store %arg7[%swap3A_32, %swap3A_33], %broadcast_in_dim3A_31 {strides = array<i32>} : memref<1x128xf32, #tpu.memory_space<vmem>>, vector<1x128xf32>,
    } else {
    }
    %get3A = arith.constant 0 : index
    %get3A_2 = arith.constant 0 : index
    %get3A_3 = vector.load %arg2[%get3A, %get3A_2] : memref<128x384xf32, #tpu.memory_space<vmem>>, vector<128x384xf32>
    %get3A_4 = arith.constant 0 : index
    %get3A_5 = arith.constant 0 : index
    %get3A_6 = vector.load %arg3[%get3A_4, %get3A_5] : memref<1x384xf32, #tpu.memory_space<vmem>>, vector<1x384xf32>
    %get3A_7 = arith.constant 0 : index
    %get3A_8 = arith.constant 0 : index
    %get3A_9 = vector.load %arg7[%get3A_7, %get3A_8] : memref<1x128xf32, #tpu.memory_space<vmem>>, vector<1x128xf32>
    %scan3A = arith.constant 0 : i32
    %scan3A_10 = arith.constant 400 : i32
    %scan3A_11 = arith.addi %scan3A, %scan3A_10 : i32
    %scan3A_12 = arith.constant 1 : i32
    %scan3A_13 = scf.for %scan3A_31 = %scan3A to %scan3A_11 step %scan3A_12 iter_args(%scan3A_32 = %get3A_9) -> (vector<1x128xf32>)  : i32 {
      %dot_general3A_33 = arith.constant dense<0.000000e+00> : vector<1x384xf32>
      %dot_general3A_34 = tpu.matmul %scan3A_32, %get3A_3, %dot_general3A_33 {dimension_numbers = #tpu.dot_dimension_numbers<[1], [0], [0], [1], [0, 0, 1, 1], [], []>, transpose_lhs_hint = false} : vector<1x128xf32>, vector<128x384xf32>, vector<1x384xf32> -> vector<1x384xf32>
      %add3A_35 = arith.addf %dot_general3A_34, %get3A_6 : vector<1x384xf32>
      %get3A_36 = arith.index_cast %scan3A_31 : i32 to index
      %get3A_37 = arith.constant 0 : index
      %get3A_38 = vector.load %arg1[%get3A_36, %get3A_37] : memref<400x384xf32, #tpu.memory_space<vmem>>, vector<1x384xf32>
      %slice3A = vector.extract_strided_slice %get3A_38 {offsets = [0, 0], sizes = [1, 256], strides = [1, 1]} : vector<1x384xf32> to vector<1x256xf32>
      %slice3A_39 = vector.extract_strided_slice %add3A_35 {offsets = [0, 0], sizes = [1, 256], strides = [1, 1]} : vector<1x384xf32> to vector<1x256xf32>
      %add3A_40 = arith.addf %slice3A, %slice3A_39 : vector<1x256xf32>
      %logistic3A = arith.negf %add3A_40 : vector<1x256xf32>
      %logistic3A_41 = math.exp %logistic3A : vector<1x256xf32>
      %logistic3A_42 = arith.constant 1.000000e+00 : f32
      %logistic3A_43 = vector.broadcast %logistic3A_42 : f32 to vector<1x256xf32>
      %logistic3A_44 = arith.addf %logistic3A_43, %logistic3A_41 : vector<1x256xf32>
      %logistic3A_45 = arith.divf %logistic3A_43, %logistic3A_44 : vector<1x256xf32>
      %slice3A_46 = vector.extract_strided_slice %logistic3A_45 {offsets = [0, 0], sizes = [1, 128], strides = [1, 1]} : vector<1x256xf32> to vector<1x128xf32>
      %slice3A_47 = vector.extract_strided_slice %logistic3A_45 {offsets = [0, 128], sizes = [1, 128], strides = [1, 1]} : vector<1x256xf32> to vector<1x128xf32>
      %slice3A_48 = vector.extract_strided_slice %get3A_38 {offsets = [0, 256], sizes = [1, 128], strides = [1, 1]} : vector<1x384xf32> to vector<1x128xf32>
      %slice3A_49 = vector.extract_strided_slice %add3A_35 {offsets = [0, 256], sizes = [1, 128], strides = [1, 1]} : vector<1x384xf32> to vector<1x128xf32>
      %mul3A = arith.mulf %slice3A_46, %slice3A_49 : vector<1x128xf32>
      %add3A_50 = arith.addf %slice3A_48, %mul3A : vector<1x128xf32>
      %tanh3A = math.tanh %add3A_50 : vector<1x128xf32>
      %sub3A = arith.constant 1.000000e+00 : f32
      %sub3A_51 = vector.broadcast %sub3A : f32 to vector<1x128xf32>
      %sub3A_52 = arith.subf %sub3A_51, %slice3A_47 : vector<1x128xf32>
      %mul3A_53 = arith.mulf %sub3A_52, %tanh3A : vector<1x128xf32>
      %mul3A_54 = arith.mulf %slice3A_47, %scan3A_32 : vector<1x128xf32>
      %add3A_55 = arith.addf %mul3A_53, %mul3A_54 : vector<1x128xf32>
      %swap3A_56 = arith.index_cast %scan3A_31 : i32 to index
      %swap3A_57 = arith.constant 0 : index
      %swap3A_58 = vector.load %arg8[%swap3A_56, %swap3A_57] : memref<400x128xf32, #tpu.memory_space<vmem>>, vector<1x128xf32>
      tpu.vector_store %arg8[%swap3A_56, %swap3A_57], %add3A_55 {strides = array<i32>} : memref<400x128xf32, #tpu.memory_space<vmem>>, vector<1x128xf32>,
      scf.yield %add3A_55 : vector<1x128xf32>
    }
    %scan3A_14 = arith.constant 400 : i32
    %swap3A = arith.constant 0 : index
    %swap3A_15 = arith.constant 0 : index
    %swap3A_16 = vector.load %arg7[%swap3A, %swap3A_15] : memref<1x128xf32, #tpu.memory_space<vmem>>, vector<1x128xf32>
    tpu.vector_store %arg7[%swap3A, %swap3A_15], %scan3A_13 {strides = array<i32>} : memref<1x128xf32, #tpu.memory_space<vmem>>, vector<1x128xf32>,
    %get3A_17 = arith.constant 0 : index
    %get3A_18 = arith.constant 0 : index
    %get3A_19 = vector.load %arg8[%get3A_17, %get3A_18] : memref<400x128xf32, #tpu.memory_space<vmem>>, vector<400x128xf32>
    %get3A_20 = arith.constant 0 : index
    %get3A_21 = arith.constant 0 : index
    %get3A_22 = vector.load %arg4[%get3A_20, %get3A_21] : memref<128x1xf32, #tpu.memory_space<vmem>>, vector<128x1xf32>
    %dot_general3A = arith.constant dense<0.000000e+00> : vector<400x1xf32>
    %dot_general3A_23 = tpu.matmul %get3A_19, %get3A_22, %dot_general3A {dimension_numbers = #tpu.dot_dimension_numbers<[1], [0], [0], [1], [0, 0, 1, 1], [], []>, transpose_lhs_hint = false} : vector<400x128xf32>, vector<128x1xf32>, vector<400x1xf32> -> vector<400x1xf32>
    %get3A_24 = arith.constant 0 : index
    %get3A_25 = arith.constant 0 : index
    %get3A_26 = vector.load %arg5[%get3A_24, %get3A_25] : memref<1x1xf32, #tpu.memory_space<vmem>>, vector<1x1xf32>
    %add3A = vector.broadcast %get3A_26 : vector<1x1xf32> to vector<400x1xf32>
    %add3A_27 = arith.addf %dot_general3A_23, %add3A : vector<400x1xf32>
    %swap3A_28 = arith.constant 0 : index
    %swap3A_29 = arith.constant 0 : index
    %swap3A_30 = vector.load %arg6[%swap3A_28, %swap3A_29] : memref<400x1xf32, #tpu.memory_space<vmem>>, vector<400x1xf32>
    tpu.vector_store %arg6[%swap3A_28, %swap3A_29], %add3A_27 {strides = array<i32>} : memref<400x1xf32, #tpu.memory_space<vmem>>, vector<400x1xf32>,
    return
  }
  func.func @transform_0(%arg0: i32) -> (i32, i32) {
    %c0_i32 = arith.constant 0 : i32
    %c0_i32_0 = arith.constant 0 : i32
    return %arg0, %c0_i32 : i32, i32
  }
  func.func @transform_1(%arg0: i32) -> (i32, i32) {
    %c0_i32 = arith.constant 0 : i32
    %c0_i32_0 = arith.constant 0 : i32
    %c0_i32_1 = arith.constant 0 : i32
    return %c0_i32, %c0_i32_0 : i32, i32
  }
  func.func @transform_2(%arg0: i32) -> (i32, i32) {
    %c0_i32 = arith.constant 0 : i32
    %c0_i32_0 = arith.constant 0 : i32
    %c0_i32_1 = arith.constant 0 : i32
    return %c0_i32, %c0_i32_0 : i32, i32
  }
  func.func @transform_3(%arg0: i32) -> (i32, i32) {
    %c0_i32 = arith.constant 0 : i32
    %c0_i32_0 = arith.constant 0 : i32
    %c0_i32_1 = arith.constant 0 : i32
    return %c0_i32, %c0_i32_0 : i32, i32
  }
  func.func @transform_4(%arg0: i32) -> (i32, i32) {
    %c0_i32 = arith.constant 0 : i32
    %c0_i32_0 = arith.constant 0 : i32
    %c0_i32_1 = arith.constant 0 : i32
    return %c0_i32, %c0_i32_0 : i32, i32
  }
  func.func @transform_5(%arg0: i32) -> (i32, i32) {
    %c0_i32 = arith.constant 0 : i32
    %c0_i32_0 = arith.constant 0 : i32
    return %arg0, %c0_i32 : i32, i32
  }
}

module attributes {stable_mosaic.version = 14 : i64} {
  func.func @_k3_body(%arg0: i32, %arg1: memref<1000x128xf32, #tpu.memory_space<vmem>>, %arg2: memref<1000x128xf32, #tpu.memory_space<vmem>>, %arg3: memref<1000x128xf32, #tpu.memory_space<vmem>>, %arg4: memref<1000x1xf32, #tpu.memory_space<vmem>>, %arg5: memref<1x128xf32, #tpu.memory_space<vmem>>, %arg6: memref<128x384xf32, #tpu.memory_space<vmem>>, %arg7: memref<1x384xf32, #tpu.memory_space<vmem>>, %arg8: memref<1000x384xf32, #tpu.memory_space<vmem>>) attributes {dimension_semantics = [#tpu.dimension_semantics<arbitrary>], iteration_bounds = array<i64: 10>, scalar_prefetch = 0 : i64, scratch_operands = 0 : i64, tpu.core_type = #tpu.core_type<tc>, window_params = [{transform_indices = @transform_0, window_bounds = array<i64: 1000, 128>}, {transform_indices = @transform_1, window_bounds = array<i64: 1000, 128>}, {transform_indices = @transform_2, window_bounds = array<i64: 1000, 128>}, {transform_indices = @transform_3, window_bounds = array<i64: 1000, 1>}, {pipeline_mode = #tpu.pipeline_mode<synchronous>, transform_indices = @transform_4, window_bounds = array<i64: 1, 128>}, {pipeline_mode = #tpu.pipeline_mode<synchronous>, transform_indices = @transform_5, window_bounds = array<i64: 128, 384>}, {pipeline_mode = #tpu.pipeline_mode<synchronous>, transform_indices = @transform_6, window_bounds = array<i64: 1, 384>}, {transform_indices = @transform_7, window_bounds = array<i64: 1000, 384>}]} {
    %get3A = arith.constant 0 : index
    %get3A_0 = arith.constant 0 : index
    %get3A_1 = vector.load %arg4[%get3A, %get3A_0] : memref<1000x1xf32, #tpu.memory_space<vmem>>, vector<1000x1xf32>
    %get3A_2 = arith.constant 0 : index
    %get3A_3 = arith.constant 0 : index
    %get3A_4 = vector.load %arg1[%get3A_2, %get3A_3] : memref<1000x128xf32, #tpu.memory_space<vmem>>, vector<1000x128xf32>
    %get3A_5 = arith.constant 0 : index
    %get3A_6 = arith.constant 0 : index
    %get3A_7 = vector.load %arg2[%get3A_5, %get3A_6] : memref<1000x128xf32, #tpu.memory_space<vmem>>, vector<1000x128xf32>
    %add3A = arith.addf %get3A_4, %get3A_7 : vector<1000x128xf32>
    %get3A_8 = arith.constant 0 : index
    %get3A_9 = arith.constant 0 : index
    %get3A_10 = vector.load %arg3[%get3A_8, %get3A_9] : memref<1000x128xf32, #tpu.memory_space<vmem>>, vector<1000x128xf32>
    %add3A_11 = arith.addf %add3A, %get3A_10 : vector<1000x128xf32>
    %mul3A = vector.broadcast %get3A_1 : vector<1000x1xf32> to vector<1000x128xf32>
    %mul3A_12 = arith.mulf %mul3A, %add3A_11 : vector<1000x128xf32>
    %get3A_13 = arith.constant 0 : index
    %get3A_14 = arith.constant 0 : index
    %get3A_15 = vector.load %arg5[%get3A_13, %get3A_14] : memref<1x128xf32, #tpu.memory_space<vmem>>, vector<1x128xf32>
    %add3A_16 = vector.broadcast %get3A_15 : vector<1x128xf32> to vector<1000x128xf32>
    %add3A_17 = arith.addf %mul3A_12, %add3A_16 : vector<1000x128xf32>
    %get3A_18 = arith.constant 0 : index
    %get3A_19 = arith.constant 0 : index
    %get3A_20 = vector.load %arg6[%get3A_18, %get3A_19] : memref<128x384xf32, #tpu.memory_space<vmem>>, vector<128x384xf32>
    %dot_general3A = arith.constant dense<0.000000e+00> : vector<1000x384xf32>
    %dot_general3A_21 = tpu.matmul %add3A_17, %get3A_20, %dot_general3A {dimension_numbers = #tpu.dot_dimension_numbers<[1], [0], [0], [1], [0, 0, 1, 1], [], []>, transpose_lhs_hint = false} : vector<1000x128xf32>, vector<128x384xf32>, vector<1000x384xf32> -> vector<1000x384xf32>
    %get3A_22 = arith.constant 0 : index
    %get3A_23 = arith.constant 0 : index
    %get3A_24 = vector.load %arg7[%get3A_22, %get3A_23] : memref<1x384xf32, #tpu.memory_space<vmem>>, vector<1x384xf32>
    %add3A_25 = vector.broadcast %get3A_24 : vector<1x384xf32> to vector<1000x384xf32>
    %add3A_26 = arith.addf %dot_general3A_21, %add3A_25 : vector<1000x384xf32>
    %swap3A = arith.constant 0 : index
    %swap3A_27 = arith.constant 0 : index
    %swap3A_28 = vector.load %arg8[%swap3A, %swap3A_27] : memref<1000x384xf32, #tpu.memory_space<vmem>>, vector<1000x384xf32>
    tpu.vector_store %arg8[%swap3A, %swap3A_27], %add3A_26 {strides = array<i32>} : memref<1000x384xf32, #tpu.memory_space<vmem>>, vector<1000x384xf32>,
    return
  }
  func.func @transform_0(%arg0: i32) -> (i32, i32) {
    %c0_i32 = arith.constant 0 : i32
    %c0_i32_0 = arith.constant 0 : i32
    return %arg0, %c0_i32 : i32, i32
  }
  func.func @transform_1(%arg0: i32) -> (i32, i32) {
    %c0_i32 = arith.constant 0 : i32
    %c0_i32_0 = arith.constant 0 : i32
    return %arg0, %c0_i32 : i32, i32
  }
  func.func @transform_2(%arg0: i32) -> (i32, i32) {
    %c0_i32 = arith.constant 0 : i32
    %c0_i32_0 = arith.constant 0 : i32
    return %arg0, %c0_i32 : i32, i32
  }
  func.func @transform_3(%arg0: i32) -> (i32, i32) {
    %c0_i32 = arith.constant 0 : i32
    %c0_i32_0 = arith.constant 0 : i32
    return %arg0, %c0_i32 : i32, i32
  }
  func.func @transform_4(%arg0: i32) -> (i32, i32) {
    %c0_i32 = arith.constant 0 : i32
    %c0_i32_0 = arith.constant 0 : i32
    %c0_i32_1 = arith.constant 0 : i32
    return %c0_i32, %c0_i32_0 : i32, i32
  }
  func.func @transform_5(%arg0: i32) -> (i32, i32) {
    %c0_i32 = arith.constant 0 : i32
    %c0_i32_0 = arith.constant 0 : i32
    %c0_i32_1 = arith.constant 0 : i32
    return %c0_i32, %c0_i32_0 : i32, i32
  }
  func.func @transform_6(%arg0: i32) -> (i32, i32) {
    %c0_i32 = arith.constant 0 : i32
    %c0_i32_0 = arith.constant 0 : i32
    %c0_i32_1 = arith.constant 0 : i32
    return %c0_i32, %c0_i32_0 : i32, i32
  }
  func.func @transform_7(%arg0: i32) -> (i32, i32) {
    %c0_i32 = arith.constant 0 : i32
    %c0_i32_0 = arith.constant 0 : i32
    return %arg0, %c0_i32 : i32, i32
  }
}

</mosaic_0001>

<sc_bundles>
// kernel: kernel.12.cloned.1.call-start
scs
__scs_entry_jumppad:
0x0: {  	(pc) =	sbr.rel $0x88, $3  }
0x1: {  	(tag) =	ssettag $0x0;
	lr =	simm.s32 $0x1  }
0x2: {  	[smem:$0x3F95] =	sst lr;
	_ =	strace $0xD0000000  }
0x3: {  	_ = 	snop  }
0x4: {  	_ = 	snop  }
0x5: {  	_ = 	snop  }
0x6: {  	_ = 	snop  }
0x7: {  	_ = 	snop  }
__scs_overlays_trampoline_lowered:
0x8: {  	[smem:$0x3FA4] =	sst s0  }
0x9: {  	[smem:$0x3FA5] =	sst s1  }
0xa: {  	[smem:$0x3FA6] =	sst s2  }
0xb: {  	[smem:$0x3FA7] =	sst s3  }
0xc: {  	[smem:$0x3FA8] =	sst s4  }
0xd: {  	[smem:$0x3FA9] =	sst s5  }
0xe: {  	[smem:$0x3FAA] =	sst s6  }
0xf: {  	[smem:$0x3FAB] =	sst s7  }
0x10: {  	[smem:$0x3FAC] =	sst s8  }
0x11: {  	[smem:$0x3FAD] =	sst s9;
	s0 =	simm.s32 @!p0 $0x0  }
0x12: {  	s1 =	sld [smem:$0x3F93];
	s0 =	simm.s32 @p0 $0x1  }
0x13: {  	[smem:$0x3FAE] =	sst s0;
	s0 =	simm.s32 @!p1 $0x0  }
0x14: {  	s2 =	sld [smem:$0x3F92];
	s0 =	simm.s32 @p1 $0x1  }
0x15: {  	[smem:$0x3FAF] =	sst s0;
	s0 =	simm.s32 @!p2 $0x0  }
0x16: {  	s3 =	sld [smem:$0x3FDB];
	s0 =	simm.s32 @p2 $0x1  }
0x17: {  	s4 =	simm.s32 $0x1BF5;
	[smem:$0x3FB1] =	sst s0  }
0x18: {  	s0 =	sld [smem:$0x3F94];
	_ =	swait.ge [sflag:s4], $0x0  }
0x19: {  	s7 =	sld [smem:$0x3F95]  }
0x1a: {  	s8 =	sadd.s32 $0xFFFFE003, lr  }
0x1b: {  	s9 =	sadd.s32 $0xFFFFFEF7, lr;
	s5 =	simm.s32 $0xFFFFFFFF;
	p2 =	slt.u32 s8, $0xFFFFF086  }
0x1c: {  	p1 =	slt.u32 s9, $0xF7A;
	s5 =	simm.s32 @!p2 $0x0  }
0x1d: {  	s5 =	simm.s32 @p1 $0x1;
	p0 =	seq.s32 s7, s2  }
0x1e: {  	s7 =	smul.u32 @!p0 $0xF7A, s2;
	p2 =	seq.s32 @!p0 s5, $0x0  }
0x1f: {  	s9 =	smul.u32 $0xF7A, s1;
	s8 =	simm.s32 @!p0 $0x1BF5;
	p2 =	por !p2, p0  }
0x20: {  	[sflag:s8] =	ssyncset.s32 @!p0 $0xFFFFF086;
	s6 =	sadd.s32 @!p0 s3, s7;
	s7 =	simm.s32 @!p0 $0x108  }
0x21: {  	s3 =	sadd.s32 s3, s9;
	s6 =	sadd.s32 @!p0 $0x88, s6;
	s7 =	simm.s32 @p2 $0x1082  }
0x22: {  	[simem:s7], [sflag:s8] =	dma.local @!p0 [hbm:s6], $0xF7A  }
0x23: {  	s9 =	sor.u32 $0xD0000000, s2;
	s6 =	simm.s32 $0x108;
	_ =	swait.ge @!p0 [sflag:s8], $0x0  }
0x24: {  	s3 =	sadd.s32 $0x88, s3;
	s6 =	simm.s32 @!p1 $0x1082;
	[sflag:s4] =	ssyncset.s32 $0xFFFFF086  }
0x25: {  	[simem:s6], [sflag:s4] =	dma.local [hbm:s3], $0xF7A  }
0x26: {  	[smem:$0x3F95] =	sst s1;
	(tag) =	ssettag s2;
	_ =	strace s9  }
0x27: {  	s1 =	sld [smem:$0x3FA5]  }
0x28: {  	s2 =	sld [smem:$0x3FA6]  }
0x29: {  	s4 =	sld [smem:$0x3FA8]  }
0x2a: {  	p0 =	seq.s32 s5, $0x0;
	s5 =	sld [smem:$0x3FA9]  }
0x2b: {  	s6 =	sld [smem:$0x3FAA]  }
0x2c: {  	s7 =	sld [smem:$0x3FAB]  }
0x2d: {  	s3 =	simm.s32 $0x108;
	s8 =	sld [smem:$0x3FAC]  }
0x2e: {  	s3 =	simm.s32 @!p0 $0x1082;
	s9 =	sld [smem:$0x3FAD]  }
0x2f: {  	lr =	sadd.s32 s0, s3;
	s0 =	sld [smem:$0x3FA4]  }
0x30: {  	s3 =	sld [smem:$0x3FA7]  }
0x31: {  	[smem:$0x3FB0] =	sst s10  }
0x32: {  	s10 =	sld [smem:$0x3FAE];
	_ =	sdelay $0x3  }
0x33: {  	p0 =	seq.s32 s10, $0x1;
	s10 =	sld [smem:$0x3FB0];
	_ =	sdelay $0x3  }
0x34: {  	[smem:$0x3FB0] =	sst s10  }
0x35: {  	s10 =	sld [smem:$0x3FAF];
	_ =	sdelay $0x3  }
0x36: {  	p1 =	seq.s32 s10, $0x1;
	s10 =	sld [smem:$0x3FB0];
	_ =	sdelay $0x3  }
0x37: {  	[smem:$0x3FB0] =	sst s10  }
0x38: {  	s10 =	sld [smem:$0x3FB1]  }
0x39: {  	_ = 	snop;
	(pc) =	sbr.ind lr, $3  }
0x3a: {  	_ = 	snop  }
0x3b: {  	_ = 	snop  }
0x3c: {  	p2 =	seq.s32 s10, $0x1;
	s10 =	sld [smem:$0x3FB0]  }
0x3d: {  	_ =	shalt  }
0x3e: {  	_ =	shalt  }
0x3f: {  	_ =	shalt  }
0x40: {  	_ =	shalt  }
0x41: {  	_ =	shalt  }
0x42: {  	_ =	shalt  }
0x43: {  	_ =	shalt  }
0x44: {  	_ =	shalt  }
0x45: {  	_ =	shalt  }
0x46: {  	_ =	shalt  }
0x47: {  	_ =	shalt  }
0x48: {  	_ =	shalt  }
0x49: {  	_ =	shalt  }
0x4a: {  	_ =	shalt  }
0x4b: {  	_ =	shalt  }
0x4c: {  	_ =	shalt  }
0x4d: {  	_ =	shalt  }
0x4e: {  	_ =	shalt  }
0x4f: {  	_ =	shalt  }
0x50: {  	_ =	shalt  }
0x51: {  	_ =	shalt  }
0x52: {  	_ =	shalt  }
0x53: {  	_ =	shalt  }
0x54: {  	_ =	shalt  }
0x55: {  	_ =	shalt  }
0x56: {  	_ =	shalt  }
0x57: {  	_ =	shalt  }
0x58: {  	_ =	shalt  }
0x59: {  	_ =	shalt  }
0x5a: {  	_ =	shalt  }
0x5b: {  	_ =	shalt  }
0x5c: {  	_ =	shalt  }
0x5d: {  	_ =	shalt  }
0x5e: {  	_ =	shalt  }
0x5f: {  	_ =	shalt  }
0x60: {  	_ =	shalt  }
0x61: {  	_ =	shalt  }
0x62: {  	_ =	shalt  }
0x63: {  	_ =	shalt  }
0x64: {  	_ =	shalt  }
0x65: {  	_ =	shalt  }
0x66: {  	_ =	shalt  }
0x67: {  	_ =	shalt  }
0x68: {  	_ =	shalt  }
0x69: {  	_ =	shalt  }
0x6a: {  	_ =	shalt  }
0x6b: {  	_ =	shalt  }
0x6c: {  	_ =	shalt  }
0x6d: {  	_ =	shalt  }
0x6e: {  	_ =	shalt  }
0x6f: {  	_ =	shalt  }
0x70: {  	_ =	shalt  }
0x71: {  	_ =	shalt  }
0x72: {  	_ =	shalt  }
0x73: {  	_ =	shalt  }
0x74: {  	_ =	shalt  }
0x75: {  	_ =	shalt  }
0x76: {  	_ =	shalt  }
0x77: {  	_ =	shalt  }
0x78: {  	_ =	shalt  }
0x79: {  	_ =	shalt  }
0x7a: {  	_ =	shalt  }
0x7b: {  	_ =	shalt  }
0x7c: {  	_ =	shalt  }
0x7d: {  	_ =	shalt  }
0x7e: {  	_ =	shalt  }
0x7f: {  	_ =	shalt  }
0x80: {  	_ =	shalt  }
0x81: {  	_ =	shalt  }
0x82: {  	_ =	shalt  }
0x83: {  	_ =	shalt  }
0x84: {  	_ =	shalt  }
0x85: {  	_ =	shalt  }
0x86: {  	_ =	shalt  }
0x87: {  	_ =	shalt  }
.Lfunc_end0:
.L_simem_size_0:
called_computation.1_lowered:
.L_overlay_start_0:
0x88: {  	s2 =	sld [smem:$0x3FD9]  }
0x89: {  	s3 =	sld [smem:$0x3FFE];
	_ =	sdelay $0x1  }
0x8a: {  	s1 =	srdreg.scid  }
0x8b: {  	s0 =	sand.u32 $0x1, s1  }
0x8c: {  	s16 =	sshll.u32 s0, $0xA;
	s2 =	sadd.s32 s3, s2  }
0x8d: {  	s2 =	sadd.s32 s2, s16  }
0x8e: {  	[smem:$0x3FBC] =	sst s2  }
0x8f: {  	_ = 	snop  }
0x90: {  	(tm) =	ssettm $0x1  }
0x91: {  	s17 =	sld [smem:$0x3FFB];
	_ =	sdelay $0x3  }
0x92: {  	_ =	strace s17  }
0x93: {  	s2 =	sld [smem:$0x3FFC];
	_ =	sdelay $0x3  }
0x94: {  	_ =	strace s2  }
0x95: {  	s2 =	sld [smem:$0x3FFD];
	_ =	sdelay $0x3  }
0x96: {  	_ =	strace s2  }
0x97: {  	_ =	strace $0x8FFFFFFF  }
0x98: {  	s18 =	sld [smem:$0x3FDB];
	_ =	sdelay $0x1  }
0x99: {  	s19 =	simm.s32 $_scs_section_size  }
0x9a: {  	s4 =	simm.s32 $_size__tile_overlayer_lowered;
	s5 =	simm.s32 $_tile_overlayer_lowered  }
0x9b: {  	s22 =	simm.s32 $0x1BFF;
	s21 =	sshll.u32 s5, $0x1;
	s2 =	sadd.s32 s19, s18  }
0x9c: {  	s6 =	simm.s32 $0x0;
	s20 =	sshll.u32 s4, $0x1;
	s4 =	sadd.s32 s21, s2  }
0x9d: {  	[timem:s6], [sflag:s22] =	dma.local [hbm:s4], s20  }
0x9e: {  	_ =	swait.ge [sflag:s22], s20  }
0x9f: {  	s3 =	ssub.s32 $0x0, s20;
	[sflag:s22] =	ssyncset.done $0x0  }
0xa0: {  	[sflag:s22] =	ssyncadd.s32 s3;
	_ =	sdelay $0x1  }
0xa1: {  	s23 =	simm.s32 $0x1B8B  }
0xa2: {  	_ =	swait.ge [sflag:s23], $0x1  }
0xa3: {  	[sflag:s23] =	ssyncset.done $0x0  }
0xa4: {  	s25 =	simm.s32 $0x1B8E;
	s24 =	sld [smem:$0x3FFE];
	[sflag:s23] =	ssyncadd.s32 $0xFFFFFFFF  }
0xa5: {  	s26 =	simm.s32 $execute0_lowered;
	[smem:$0x3FD2] =	sst s25  }
0xa6: {  	s4 =	sshll.u32 s26, $0x1;
	_ =	strace $0x80000049;
	[dreg:$0x1] =	wrdreg $0xFFFFFFFF  }
0xa7: {  	s28 =	simm.s32 $_size_execute0_lowered;
	s2 =	sadd.s32 s2, s4;
	[dreg:$0x0] =	wrdreg $0x0  }
0xa8: {  	s4 =	sshll.u32 s28, $0x1;
	[dreg:$0x2] =	wrdreg s2  }
0xa9: {  	[dreg:$0x3] =	wrdreg s4  }
0xaa: {  	[dreg:$0x4] =	wrdreg $0xC0  }
0xab: {  	_ =	task [dreg:s6], $0x5FFFF  }
0xac: {  	[dreg:$0x1] =	wrdreg $0xFFFFFFFF  }
0xad: {  	[dreg:$0x0] =	wrdreg $0x60  }
0xae: {  	[dreg:$0x2] =	wrdreg s24  }
0xaf: {  	[dreg:$0x3] =	wrdreg $0x90000  }
0xb0: {  	[dreg:$0x4] =	wrdreg $0x9  }
0xb1: {  	_ =	task.clear_ibuf [dreg:s6], $0x5FFFF;
	_ =	strace $0x90000049  }
0xb2: {  	s29 =	simm.s32 $0x9;
	_ =	strace $0x8000004B  }
0xb3: {  	_ =	swait.ge [sflag:s29], $0x1  }
0xb4: {  	[sflag:s29] =	ssyncadd.s32 $0xFFFFFFFF  }
0xb5: {  	_ =	strace $0x9000004B  }
0xb6: {  	_ =	sfence  }
0xb7: {  	s30 =	sld [smem:$0x0];
	_ =	sdelay $0x2  }
0xb8: {  	s31 =	sshll.u32 s1, $0xD;
	s1 =	sshrl.u32 s1, $0x2  }
0xb9: {  	s3 =	sand.u32 $0x4000, s31;
	s1 =	sadd.s32 s1, s30  }
0xba: {  	s0 =	sor.u32 s3, s0;
	s1 =	sshll.u32 s1, $0x11  }
0xbb: {  	s0 =	sor.u32 s1, s0  }
0xbc: {  	s0 =	sadd.s32 $0x8F2B, s0  }
0xbd: {  	[sflag:s0] =	ssyncadd.remote.s32 $0x1  }
0xbe: {  	_ =	sfence.sel $0xFFFF  }
0xbf: {  	[dreg:$0x0] =	wrdreg $0xFFFFFFFF;
	(pc) =	sbr.abs _section_cstart, $3  }
0xc0: {  	[dreg:$0x1] =	wrdreg $0xFFFFFFFF  }
0xc1: {  	_ =	task.clear_ibuf [dreg:s6], $0x2FFFF;
	_ =	strace $0x9FFFFFFF  }
0xc2: {  	(tm) =	ssettm $0x7FFFFFFF  }
0xc3: {  	_ =	shalt  }
tec
execute0_lowered:
.L_overlay_start_1:
0x0: {  	(tag) =	ssettag $0x1  }
0x1: {  	s1 =	srdreg.scid;
	s5 =	rddreg [dreg:$0x0]  }
0x2: {  	s0 =	stileid.u32;
	s2 =	rddreg [dreg:$0x1];
	s3 =	simm.s32 $0x0  }
0x3: {  	s14 =	simm.s32 $0x80;
	s15 =	simm.s32 $0x5000;
	s16 =	simm.s32 $0x1  }
0x4: {  	s17 =	simm.s32 $0x0;
	s6 =	sand.u32 $0x1, s1;
	s1 =	rddreg [dreg:$0x2]  }
0x5: {  	s26 =	sshll.u32 s0, $0x1;
	[smem:$0x7FF] =	sst s3;
	s8 =	smul.u32 $0x14000, s0  }
0x6: {  	s29 =	smul.u32 $0x50000, s0;
	s31 =	sshll.u32 s0, $0x6;
	s4 =	sor.u32 s6, s26  }
0x7: {  	_ =	strace $0x8000004A;
	s9 =	smul.u32 $0x140000, s6;
	s6 =	ssub.s32 $0x2, s6  }
0x8: {  	s7 =	smul.u32 $0x500, s4;
	s4 =	sadd.s32 $0x36600, s5;
	s28 =	sshrl.u32 s8, $0x3  }
0x9: {  	s11 =	sshrl.u32 s6, $0x1;
	s30 =	sshrl.u32 s29, $0x2;
	s8 =	sadd.s32 s8, s9  }
0xa: {  	s11 =	ssub.s32 s6, s11;
	s13 =	sadd.s32 s30, s2;
	s6 =	sor.u32 $0x1C02, s31  }
0xb: {  	s10 =	sadd.s32 s7, s5;
	s7 =	sadd.s32 s28, s5;
	s8 =	sshrl.u32 s8, $0x3  }
0xc: {  	s12 =	sadd.s32 s8, s5;
	s5 =	sadd.s32 $0xE600, s7;
	s7 =	sadd.s32 $0x86E00, s10  }
0xd: {  	s8 =	sadd.s32 $0x4600, s10;
	s10 =	smax.u32 s11, $0x1;
	s11 =	sshrl.u32 s13, $0x3  }
0xe: {  	s13 =	simm.s32 $0x2800;
	s9 =	sadd.s32 $0x90E00, s12;
	s12 =	simm.s32 $0x2  }
.LBB2_1:
0xf: {  	[spmem:s11], [sflag:s6] =	dma.local [hbm:s5], $0x2800  }
0x10: {  	_ =	swait.ge [sflag:s12], $0x2800  }
0x11: {  	[sflag:s12] =	ssyncset.done $0x0  }
0x12: {  	[sflag:s12] =	ssyncadd.s32 $0xFFFFD800  }
0x13: {  	[tilespmem:s3], [sflag:$0x2] =	stream.linear.gather [hbm4b:s7+s3], $0x2780, $0x38;
	[tilespmem:$0x1D000] =	vst v63  }
0x14: {  	_ =	swait.ge [sflag:s12], $0x2780  }
0x15: {  	[sflag:s12] =	ssyncset.done $0x0  }
0x16: {  	[sflag:s12] =	ssyncadd.s32 $0xFFFFD880  }
0x17: {  	[tilespmem:s13], [sflag:$0x2] =	stream.linear.gather [hbm4b:s8+s3], $0x2780, $0x38;
	[tilespmem:$0x1D000] =	vst v63  }
0x18: {  	_ =	swait.ge [sflag:s12], $0x2780  }
0x19: {  	[sflag:s12] =	ssyncset.done $0x0  }
0x1a: {  	[sflag:s12] =	ssyncadd.s32 $0xFFFFD880  }
0x1b: {  	s18 =	simm.s32 $0x0;
	[bflag:$0x0] =	sbarrier.arrive $0xFFFF  }
0x1c: {  	[tilespmem:s15], [sflag:$0x1] =	stream.indirect.gather [hbm4b:s4+s14], $0x80, s18, s14, $0xb8;
	[tilespmem:$0x1D000] =	vst v63  }
0x1d: {  	_ =	swait.ge [sflag:s16], $0x4000  }
0x1e: {  	[sflag:s16] =	ssyncset.done $0x0  }
0x1f: {  	s31 =	simm.s32 $0x2800;
	[sflag:s16] =	ssyncadd.s32 $0xFFFFC000  }
0x20: {  	[spmem:s2] =	stream.indirect.scatter.add.f32 [tilespmem:s15], [sflag:$0x2], $0x80, s31, s14, $0xb8;
	[tilespmem:$0x1D000] =	vst v63  }
0x21: {  	_ =	swait.ge [sflag:s12], $0x4000  }
0x22: {  	s19 =	simm.s32 $0x400;
	s18 =	simm.s32 $0x200;
	[sflag:s12] =	ssyncset.done $0x0  }
.LBB2_2:
0x23: {  	s20 =	sshra.s32 s18, $0x2  }
0x24: {  	[sflag:s12] =	ssyncadd.s32 $0xFFFFC000;
	s18 =	smov.u32 s19;
	s21 =	sadd.s32 $0x200, s19  }
0x25: {  	[tilespmem:s15], [sflag:$0x1] =	stream.indirect.gather [hbm4b:s4+s14], $0x80, s20, s14, $0xb8;
	[tilespmem:$0x1D000] =	vst v63  }
0x26: {  	p0 =	sne.s32 s19, $0x9C00;
	_ =	swait.ge [sflag:s16], $0x4000  }
.Ltmp0:
0x27: {  	[sflag:s16] =	ssyncset.done $0x0;
	(pc) =	sbr.rel @p0 .LBB2_2-.Ltmp0, $4  }
0x28: {  	s19 =	sadd.s32 $0x2800, s20;
	[sflag:s16] =	ssyncadd.s32 $0xFFFFC000  }
0x29: {  	[spmem:s2] =	stream.indirect.scatter.add.f32 [tilespmem:s15], [sflag:$0x2], $0x80, s19, s14, $0xb8;
	[tilespmem:$0x1D000] =	vst v63  }
0x2a: {  	_ =	swait.ge [sflag:s12], $0x4000  }
0x2b: {  	s19 =	smov.u32 s21;
	[sflag:s12] =	ssyncset.done $0x0  }
0x2c: {  	s18 =	sshra.s32 s18, $0x2;
	[sflag:s12] =	ssyncadd.s32 $0xFFFFC000  }
0x2d: {  	[tilespmem:s15], [sflag:$0x1] =	stream.indirect.gather [hbm4b:s4+s14], $0x80, s18, s14, $0xb8;
	[tilespmem:$0x1D000] =	vst v63  }
0x2e: {  	_ =	swait.ge [sflag:s16], $0x4000  }
0x2f: {  	[sflag:s16] =	ssyncset.done $0x0  }
0x30: {  	s18 =	sadd.s32 $0x2800, s18;
	[sflag:s16] =	ssyncadd.s32 $0xFFFFC000  }
0x31: {  	[spmem:s2] =	stream.indirect.scatter.add.f32 [tilespmem:s15], [sflag:$0x2], $0x80, s18, s14, $0xb8;
	[tilespmem:$0x1D000] =	vst v63  }
0x32: {  	_ =	swait.ge [sflag:s12], $0x4000  }
0x33: {  	s17 =	sadd.s32 $0x1, s17;
	[sflag:s12] =	ssyncset.done $0x0  }
0x34: {  	p0 =	sne.s32 s17, s10;
	[sflag:s12] =	ssyncadd.s32 $0xFFFFC000  }
.Ltmp1:
0x35: {  	[bflag:$0x0] =	sbarrier.arrive $0xFFFF;
	(pc) =	sbr.rel @p0 .LBB2_1-.Ltmp1, $4  }
0x36: {  	[hbm:s9], [sflag:s6] =	dma.local [spmem:s11], $0x2800  }
0x37: {  	_ =	swait.ge [sflag:s12], $0x2800  }
0x38: {  	[sflag:s12] =	ssyncset.done $0x0  }
0x39: {  	[sflag:s12] =	ssyncadd.s32 $0xFFFFD800  }
0x3a: {  	_ =	sfence.sel $0x180000  }
0x3b: {  	[bflag:$0x0] =	sbarrier.arrive $0xFFFF  }
0x3c: {  	p0 =	sne.s32 s0, $0x0;
	_ =	strace $0x9000004A  }
0x3d: {  	s0 =	sadd.s32 @!p0 $0x100000, s1;
	[bflag:$0x2] =	sbarrier.arrive $0xFFFF  }
0x3e: {  	[sflag:s0] =	ssyncadd.tile.s32 @!p0 $0x1;
	_ =	shalt  }
.Lfunc_end2:
_tile_overlayer_lowered:
.L_overlay_start_2:
0x3f: {  	(tag) =	ssettag $0x2  }
0x40: {  	s0 =	rddreg [dreg:$0x0];
	s2 =	stileid.u32  }
0x41: {  	s1 =	rddreg [dreg:$0x1];
	p0 =	sne.s32 s2, $0x0  }
0x42: {  	s3 =	rddreg [dreg:$0x2];
	[bflag:$0x3] =	sbarrier.arrive $0xFFFF;
	s2 =	simm.s32 @!p0 $0x1C02  }
0x43: {  	[timem:s3], [sflag:s2] =	dma.local @!p0 [hbm:s0], s1  }
0x44: {  	s0 =	simm.s32 @!p0 $0x2  }
0x45: {  	_ =	swait.ge @!p0 [sflag:s0], s1  }
0x46: {  	s1 =	ssub.s32 @!p0 $0x0, s1;
	[sflag:s0] =	ssyncset.done @!p0 $0x0  }
0x47: {  	[sflag:s0] =	ssyncadd.s32 @!p0 s1  }
0x48: {  	[bflag:$0x3] =	sbarrier.arrive $0xFFFF  }
0x49: {  	_ =	shalt  }

// kernel: kernel.15.cloned.1.call-start
scs
__scs_entry_jumppad:
0x0: {  	(pc) =	sbr.rel $0x88, $3  }
0x1: {  	(tag) =	ssettag $0x0;
	lr =	simm.s32 $0x1  }
0x2: {  	[smem:$0x3F95] =	sst lr;
	_ =	strace $0xD0000000  }
0x3: {  	_ = 	snop  }
0x4: {  	_ = 	snop  }
0x5: {  	_ = 	snop  }
0x6: {  	_ = 	snop  }
0x7: {  	_ = 	snop  }
__scs_overlays_trampoline_lowered:
0x8: {  	[smem:$0x3FA4] =	sst s0  }
0x9: {  	[smem:$0x3FA5] =	sst s1  }
0xa: {  	[smem:$0x3FA6] =	sst s2  }
0xb: {  	[smem:$0x3FA7] =	sst s3  }
0xc: {  	[smem:$0x3FA8] =	sst s4  }
0xd: {  	[smem:$0x3FA9] =	sst s5  }
0xe: {  	[smem:$0x3FAA] =	sst s6  }
0xf: {  	[smem:$0x3FAB] =	sst s7  }
0x10: {  	[smem:$0x3FAC] =	sst s8  }
0x11: {  	[smem:$0x3FAD] =	sst s9;
	s0 =	simm.s32 @!p0 $0x0  }
0x12: {  	s1 =	sld [smem:$0x3F93];
	s0 =	simm.s32 @p0 $0x1  }
0x13: {  	[smem:$0x3FAE] =	sst s0;
	s0 =	simm.s32 @!p1 $0x0  }
0x14: {  	s2 =	sld [smem:$0x3F92];
	s0 =	simm.s32 @p1 $0x1  }
0x15: {  	[smem:$0x3FAF] =	sst s0;
	s0 =	simm.s32 @!p2 $0x0  }
0x16: {  	s3 =	sld [smem:$0x3FDB];
	s0 =	simm.s32 @p2 $0x1  }
0x17: {  	s4 =	simm.s32 $0x1BF5;
	[smem:$0x3FB1] =	sst s0  }
0x18: {  	s0 =	sld [smem:$0x3F94];
	_ =	swait.ge [sflag:s4], $0x0  }
0x19: {  	s7 =	sld [smem:$0x3F95]  }
0x1a: {  	s8 =	sadd.s32 $0xFFFFE003, lr  }
0x1b: {  	s9 =	sadd.s32 $0xFFFFFEF7, lr;
	s5 =	simm.s32 $0xFFFFFFFF;
	p2 =	slt.u32 s8, $0xFFFFF086  }
0x1c: {  	p1 =	slt.u32 s9, $0xF7A;
	s5 =	simm.s32 @!p2 $0x0  }
0x1d: {  	s5 =	simm.s32 @p1 $0x1;
	p0 =	seq.s32 s7, s2  }
0x1e: {  	s7 =	smul.u32 @!p0 $0xF7A, s2;
	p2 =	seq.s32 @!p0 s5, $0x0  }
0x1f: {  	s9 =	smul.u32 $0xF7A, s1;
	s8 =	simm.s32 @!p0 $0x1BF5;
	p2 =	por !p2, p0  }
0x20: {  	[sflag:s8] =	ssyncset.s32 @!p0 $0xFFFFF086;
	s6 =	sadd.s32 @!p0 s3, s7;
	s7 =	simm.s32 @!p0 $0x108  }
0x21: {  	s3 =	sadd.s32 s3, s9;
	s6 =	sadd.s32 @!p0 $0x88, s6;
	s7 =	simm.s32 @p2 $0x1082  }
0x22: {  	[simem:s7], [sflag:s8] =	dma.local @!p0 [hbm:s6], $0xF7A  }
0x23: {  	s9 =	sor.u32 $0xD0000000, s2;
	s6 =	simm.s32 $0x108;
	_ =	swait.ge @!p0 [sflag:s8], $0x0  }
0x24: {  	s3 =	sadd.s32 $0x88, s3;
	s6 =	simm.s32 @!p1 $0x1082;
	[sflag:s4] =	ssyncset.s32 $0xFFFFF086  }
0x25: {  	[simem:s6], [sflag:s4] =	dma.local [hbm:s3], $0xF7A  }
0x26: {  	[smem:$0x3F95] =	sst s1;
	(tag) =	ssettag s2;
	_ =	strace s9  }
0x27: {  	s1 =	sld [smem:$0x3FA5]  }
0x28: {  	s2 =	sld [smem:$0x3FA6]  }
0x29: {  	s4 =	sld [smem:$0x3FA8]  }
0x2a: {  	p0 =	seq.s32 s5, $0x0;
	s5 =	sld [smem:$0x3FA9]  }
0x2b: {  	s6 =	sld [smem:$0x3FAA]  }
0x2c: {  	s7 =	sld [smem:$0x3FAB]  }
0x2d: {  	s3 =	simm.s32 $0x108;
	s8 =	sld [smem:$0x3FAC]  }
0x2e: {  	s3 =	simm.s32 @!p0 $0x1082;
	s9 =	sld [smem:$0x3FAD]  }
0x2f: {  	lr =	sadd.s32 s0, s3;
	s0 =	sld [smem:$0x3FA4]  }
0x30: {  	s3 =	sld [smem:$0x3FA7]  }
0x31: {  	[smem:$0x3FB0] =	sst s10  }
0x32: {  	s10 =	sld [smem:$0x3FAE];
	_ =	sdelay $0x3  }
0x33: {  	p0 =	seq.s32 s10, $0x1;
	s10 =	sld [smem:$0x3FB0];
	_ =	sdelay $0x3  }
0x34: {  	[smem:$0x3FB0] =	sst s10  }
0x35: {  	s10 =	sld [smem:$0x3FAF];
	_ =	sdelay $0x3  }
0x36: {  	p1 =	seq.s32 s10, $0x1;
	s10 =	sld [smem:$0x3FB0];
	_ =	sdelay $0x3  }
0x37: {  	[smem:$0x3FB0] =	sst s10  }
0x38: {  	s10 =	sld [smem:$0x3FB1]  }
0x39: {  	_ = 	snop;
	(pc) =	sbr.ind lr, $3  }
0x3a: {  	_ = 	snop  }
0x3b: {  	_ = 	snop  }
0x3c: {  	p2 =	seq.s32 s10, $0x1;
	s10 =	sld [smem:$0x3FB0]  }
0x3d: {  	_ =	shalt  }
0x3e: {  	_ =	shalt  }
0x3f: {  	_ =	shalt  }
0x40: {  	_ =	shalt  }
0x41: {  	_ =	shalt  }
0x42: {  	_ =	shalt  }
0x43: {  	_ =	shalt  }
0x44: {  	_ =	shalt  }
0x45: {  	_ =	shalt  }
0x46: {  	_ =	shalt  }
0x47: {  	_ =	shalt  }
0x48: {  	_ =	shalt  }
0x49: {  	_ =	shalt  }
0x4a: {  	_ =	shalt  }
0x4b: {  	_ =	shalt  }
0x4c: {  	_ =	shalt  }
0x4d: {  	_ =	shalt  }
0x4e: {  	_ =	shalt  }
0x4f: {  	_ =	shalt  }
0x50: {  	_ =	shalt  }
0x51: {  	_ =	shalt  }
0x52: {  	_ =	shalt  }
0x53: {  	_ =	shalt  }
0x54: {  	_ =	shalt  }
0x55: {  	_ =	shalt  }
0x56: {  	_ =	shalt  }
0x57: {  	_ =	shalt  }
0x58: {  	_ =	shalt  }
0x59: {  	_ =	shalt  }
0x5a: {  	_ =	shalt  }
0x5b: {  	_ =	shalt  }
0x5c: {  	_ =	shalt  }
0x5d: {  	_ =	shalt  }
0x5e: {  	_ =	shalt  }
0x5f: {  	_ =	shalt  }
0x60: {  	_ =	shalt  }
0x61: {  	_ =	shalt  }
0x62: {  	_ =	shalt  }
0x63: {  	_ =	shalt  }
0x64: {  	_ =	shalt  }
0x65: {  	_ =	shalt  }
0x66: {  	_ =	shalt  }
0x67: {  	_ =	shalt  }
0x68: {  	_ =	shalt  }
0x69: {  	_ =	shalt  }
0x6a: {  	_ =	shalt  }
0x6b: {  	_ =	shalt  }
0x6c: {  	_ =	shalt  }
0x6d: {  	_ =	shalt  }
0x6e: {  	_ =	shalt  }
0x6f: {  	_ =	shalt  }
0x70: {  	_ =	shalt  }
0x71: {  	_ =	shalt  }
0x72: {  	_ =	shalt  }
0x73: {  	_ =	shalt  }
0x74: {  	_ =	shalt  }
0x75: {  	_ =	shalt  }
0x76: {  	_ =	shalt  }
0x77: {  	_ =	shalt  }
0x78: {  	_ =	shalt  }
0x79: {  	_ =	shalt  }
0x7a: {  	_ =	shalt  }
0x7b: {  	_ =	shalt  }
0x7c: {  	_ =	shalt  }
0x7d: {  	_ =	shalt  }
0x7e: {  	_ =	shalt  }
0x7f: {  	_ =	shalt  }
0x80: {  	_ =	shalt  }
0x81: {  	_ =	shalt  }
0x82: {  	_ =	shalt  }
0x83: {  	_ =	shalt  }
0x84: {  	_ =	shalt  }
0x85: {  	_ =	shalt  }
0x86: {  	_ =	shalt  }
0x87: {  	_ =	shalt  }
.Lfunc_end0:
.L_simem_size_0:
called_computation.2_lowered:
.L_overlay_start_0:
0x88: {  	s2 =	sld [smem:$0x3FD9]  }
0x89: {  	s3 =	sld [smem:$0x3FFE];
	_ =	sdelay $0x1  }
0x8a: {  	s1 =	srdreg.scid  }
0x8b: {  	s0 =	sand.u32 $0x1, s1  }
0x8c: {  	s16 =	sshll.u32 s0, $0xA;
	s2 =	sadd.s32 s3, s2  }
0x8d: {  	s2 =	sadd.s32 s2, s16  }
0x8e: {  	[smem:$0x3FBC] =	sst s2  }
0x8f: {  	_ = 	snop  }
0x90: {  	(tm) =	ssettm $0x1  }
0x91: {  	s17 =	sld [smem:$0x3FFB];
	_ =	sdelay $0x3  }
0x92: {  	_ =	strace s17  }
0x93: {  	s2 =	sld [smem:$0x3FFC];
	_ =	sdelay $0x3  }
0x94: {  	_ =	strace s2  }
0x95: {  	s2 =	sld [smem:$0x3FFD];
	_ =	sdelay $0x3  }
0x96: {  	_ =	strace s2  }
0x97: {  	_ =	strace $0x8FFFFFFF  }
0x98: {  	s18 =	sld [smem:$0x3FDB];
	_ =	sdelay $0x1  }
0x99: {  	s19 =	simm.s32 $_scs_section_size  }
0x9a: {  	s4 =	simm.s32 $_size__tile_overlayer_lowered;
	s5 =	simm.s32 $_tile_overlayer_lowered  }
0x9b: {  	s22 =	simm.s32 $0x1BFF;
	s21 =	sshll.u32 s5, $0x1;
	s2 =	sadd.s32 s19, s18  }
0x9c: {  	s6 =	simm.s32 $0x0;
	s20 =	sshll.u32 s4, $0x1;
	s4 =	sadd.s32 s21, s2  }
0x9d: {  	[timem:s6], [sflag:s22] =	dma.local [hbm:s4], s20  }
0x9e: {  	_ =	swait.ge [sflag:s22], s20  }
0x9f: {  	s3 =	ssub.s32 $0x0, s20;
	[sflag:s22] =	ssyncset.done $0x0  }
0xa0: {  	[sflag:s22] =	ssyncadd.s32 s3;
	_ =	sdelay $0x1  }
0xa1: {  	s23 =	simm.s32 $0x1B8B  }
0xa2: {  	_ =	swait.ge [sflag:s23], $0x1  }
0xa3: {  	[sflag:s23] =	ssyncset.done $0x0  }
0xa4: {  	s25 =	simm.s32 $0x1B8E;
	s24 =	sld [smem:$0x3FFE];
	[sflag:s23] =	ssyncadd.s32 $0xFFFFFFFF  }
0xa5: {  	s26 =	simm.s32 $execute0_lowered;
	[smem:$0x3FD2] =	sst s25  }
0xa6: {  	s4 =	sshll.u32 s26, $0x1;
	_ =	strace $0x8000004C;
	[dreg:$0x1] =	wrdreg $0xFFFFFFFF  }
0xa7: {  	s28 =	simm.s32 $_size_execute0_lowered;
	s2 =	sadd.s32 s2, s4;
	[dreg:$0x0] =	wrdreg $0x0  }
0xa8: {  	s4 =	sshll.u32 s28, $0x1;
	[dreg:$0x2] =	wrdreg s2  }
0xa9: {  	[dreg:$0x3] =	wrdreg s4  }
0xaa: {  	[dreg:$0x4] =	wrdreg $0xC0  }
0xab: {  	_ =	task [dreg:s6], $0x5FFFF  }
0xac: {  	[dreg:$0x1] =	wrdreg $0xFFFFFFFF  }
0xad: {  	[dreg:$0x0] =	wrdreg $0x60  }
0xae: {  	[dreg:$0x2] =	wrdreg s24  }
0xaf: {  	[dreg:$0x3] =	wrdreg $0x90000  }
0xb0: {  	[dreg:$0x4] =	wrdreg $0x9  }
0xb1: {  	_ =	task.clear_ibuf [dreg:s6], $0x5FFFF;
	_ =	strace $0x9000004C  }
0xb2: {  	s29 =	simm.s32 $0x9;
	_ =	strace $0x8000004E  }
0xb3: {  	_ =	swait.ge [sflag:s29], $0x1  }
0xb4: {  	[sflag:s29] =	ssyncadd.s32 $0xFFFFFFFF  }
0xb5: {  	_ =	strace $0x9000004E  }
0xb6: {  	_ =	sfence  }
0xb7: {  	s30 =	sld [smem:$0x0];
	_ =	sdelay $0x2  }
0xb8: {  	s31 =	sshll.u32 s1, $0xD;
	s1 =	sshrl.u32 s1, $0x2  }
0xb9: {  	s3 =	sand.u32 $0x4000, s31;
	s1 =	sadd.s32 s1, s30  }
0xba: {  	s0 =	sor.u32 s3, s0;
	s1 =	sshll.u32 s1, $0x11  }
0xbb: {  	s0 =	sor.u32 s1, s0  }
0xbc: {  	s0 =	sadd.s32 $0x8F2B, s0  }
0xbd: {  	[sflag:s0] =	ssyncadd.remote.s32 $0x1  }
0xbe: {  	_ =	sfence.sel $0xFFFF  }
0xbf: {  	[dreg:$0x0] =	wrdreg $0xFFFFFFFF;
	(pc) =	sbr.abs _section_cstart, $3  }
0xc0: {  	[dreg:$0x1] =	wrdreg $0xFFFFFFFF  }
0xc1: {  	_ =	task.clear_ibuf [dreg:s6], $0x2FFFF;
	_ =	strace $0x9FFFFFFF  }
0xc2: {  	(tm) =	ssettm $0x7FFFFFFF  }
0xc3: {  	_ =	shalt  }
tec
execute0_lowered:
.L_overlay_start_1:
0x0: {  	(tag) =	ssettag $0x1  }
0x1: {  	s1 =	srdreg.scid;
	s5 =	rddreg [dreg:$0x0]  }
0x2: {  	s0 =	stileid.u32;
	s2 =	rddreg [dreg:$0x1];
	s3 =	simm.s32 $0x0  }
0x3: {  	s14 =	simm.s32 $0x80;
	s15 =	simm.s32 $0x5000;
	s16 =	simm.s32 $0x1  }
0x4: {  	s17 =	simm.s32 $0x0;
	s6 =	sand.u32 $0x1, s1;
	s1 =	rddreg [dreg:$0x2]  }
0x5: {  	s26 =	sshll.u32 s0, $0x1;
	[smem:$0x7FF] =	sst s3;
	s8 =	smul.u32 $0x14000, s0  }
0x6: {  	s29 =	smul.u32 $0x50000, s0;
	s31 =	sshll.u32 s0, $0x6;
	s4 =	sor.u32 s6, s26  }
0x7: {  	_ =	strace $0x8000004D;
	s9 =	smul.u32 $0x140000, s6;
	s6 =	ssub.s32 $0x2, s6  }
0x8: {  	s7 =	smul.u32 $0x500, s4;
	s4 =	sadd.s32 $0x36600, s5;
	s28 =	sshrl.u32 s8, $0x3  }
0x9: {  	s11 =	sshrl.u32 s6, $0x1;
	s30 =	sshrl.u32 s29, $0x2;
	s8 =	sadd.s32 s8, s9  }
0xa: {  	s11 =	ssub.s32 s6, s11;
	s13 =	sadd.s32 s30, s2;
	s6 =	sor.u32 $0x1C02, s31  }
0xb: {  	s10 =	sadd.s32 s7, s5;
	s7 =	sadd.s32 s28, s5;
	s8 =	sshrl.u32 s8, $0x3  }
0xc: {  	s12 =	sadd.s32 s8, s5;
	s5 =	sadd.s32 $0xE600, s7;
	s7 =	sadd.s32 $0x86E00, s10  }
0xd: {  	s8 =	sadd.s32 $0x4600, s10;
	s10 =	smax.u32 s11, $0x1;
	s11 =	sshrl.u32 s13, $0x3  }
0xe: {  	s13 =	simm.s32 $0x2800;
	s9 =	sadd.s32 $0x90E00, s12;
	s12 =	simm.s32 $0x2  }
.LBB2_1:
0xf: {  	[spmem:s11], [sflag:s6] =	dma.local [hbm:s5], $0x2800  }
0x10: {  	_ =	swait.ge [sflag:s12], $0x2800  }
0x11: {  	[sflag:s12] =	ssyncset.done $0x0  }
0x12: {  	[sflag:s12] =	ssyncadd.s32 $0xFFFFD800  }
0x13: {  	[tilespmem:s3], [sflag:$0x2] =	stream.linear.gather [hbm4b:s7+s3], $0x2780, $0x38;
	[tilespmem:$0x1D000] =	vst v63  }
0x14: {  	_ =	swait.ge [sflag:s12], $0x2780  }
0x15: {  	[sflag:s12] =	ssyncset.done $0x0  }
0x16: {  	[sflag:s12] =	ssyncadd.s32 $0xFFFFD880  }
0x17: {  	[tilespmem:s13], [sflag:$0x2] =	stream.linear.gather [hbm4b:s8+s3], $0x2780, $0x38;
	[tilespmem:$0x1D000] =	vst v63  }
0x18: {  	_ =	swait.ge [sflag:s12], $0x2780  }
0x19: {  	[sflag:s12] =	ssyncset.done $0x0  }
0x1a: {  	[sflag:s12] =	ssyncadd.s32 $0xFFFFD880  }
0x1b: {  	s18 =	simm.s32 $0x0;
	[bflag:$0x0] =	sbarrier.arrive $0xFFFF  }
0x1c: {  	[tilespmem:s15], [sflag:$0x1] =	stream.indirect.gather [hbm4b:s4+s14], $0x80, s18, s14, $0xb8;
	[tilespmem:$0x1D000] =	vst v63  }
0x1d: {  	_ =	swait.ge [sflag:s16], $0x4000  }
0x1e: {  	[sflag:s16] =	ssyncset.done $0x0  }
0x1f: {  	s31 =	simm.s32 $0x2800;
	[sflag:s16] =	ssyncadd.s32 $0xFFFFC000  }
0x20: {  	[spmem:s2] =	stream.indirect.scatter.add.f32 [tilespmem:s15], [sflag:$0x2], $0x80, s31, s14, $0xb8;
	[tilespmem:$0x1D000] =	vst v63  }
0x21: {  	_ =	swait.ge [sflag:s12], $0x4000  }
0x22: {  	s19 =	simm.s32 $0x400;
	s18 =	simm.s32 $0x200;
	[sflag:s12] =	ssyncset.done $0x0  }
.LBB2_2:
0x23: {  	s20 =	sshra.s32 s18, $0x2  }
0x24: {  	[sflag:s12] =	ssyncadd.s32 $0xFFFFC000;
	s18 =	smov.u32 s19;
	s21 =	sadd.s32 $0x200, s19  }
0x25: {  	[tilespmem:s15], [sflag:$0x1] =	stream.indirect.gather [hbm4b:s4+s14], $0x80, s20, s14, $0xb8;
	[tilespmem:$0x1D000] =	vst v63  }
0x26: {  	p0 =	sne.s32 s19, $0x9C00;
	_ =	swait.ge [sflag:s16], $0x4000  }
.Ltmp0:
0x27: {  	[sflag:s16] =	ssyncset.done $0x0;
	(pc) =	sbr.rel @p0 .LBB2_2-.Ltmp0, $4  }
0x28: {  	s19 =	sadd.s32 $0x2800, s20;
	[sflag:s16] =	ssyncadd.s32 $0xFFFFC000  }
0x29: {  	[spmem:s2] =	stream.indirect.scatter.add.f32 [tilespmem:s15], [sflag:$0x2], $0x80, s19, s14, $0xb8;
	[tilespmem:$0x1D000] =	vst v63  }
0x2a: {  	_ =	swait.ge [sflag:s12], $0x4000  }
0x2b: {  	s19 =	smov.u32 s21;
	[sflag:s12] =	ssyncset.done $0x0  }
0x2c: {  	s18 =	sshra.s32 s18, $0x2;
	[sflag:s12] =	ssyncadd.s32 $0xFFFFC000  }
0x2d: {  	[tilespmem:s15], [sflag:$0x1] =	stream.indirect.gather [hbm4b:s4+s14], $0x80, s18, s14, $0xb8;
	[tilespmem:$0x1D000] =	vst v63  }
0x2e: {  	_ =	swait.ge [sflag:s16], $0x4000  }
0x2f: {  	[sflag:s16] =	ssyncset.done $0x0  }
0x30: {  	s18 =	sadd.s32 $0x2800, s18;
	[sflag:s16] =	ssyncadd.s32 $0xFFFFC000  }
0x31: {  	[spmem:s2] =	stream.indirect.scatter.add.f32 [tilespmem:s15], [sflag:$0x2], $0x80, s18, s14, $0xb8;
	[tilespmem:$0x1D000] =	vst v63  }
0x32: {  	_ =	swait.ge [sflag:s12], $0x4000  }
0x33: {  	s17 =	sadd.s32 $0x1, s17;
	[sflag:s12] =	ssyncset.done $0x0  }
0x34: {  	p0 =	sne.s32 s17, s10;
	[sflag:s12] =	ssyncadd.s32 $0xFFFFC000  }
.Ltmp1:
0x35: {  	[bflag:$0x0] =	sbarrier.arrive $0xFFFF;
	(pc) =	sbr.rel @p0 .LBB2_1-.Ltmp1, $4  }
0x36: {  	[hbm:s9], [sflag:s6] =	dma.local [spmem:s11], $0x2800  }
0x37: {  	_ =	swait.ge [sflag:s12], $0x2800  }
0x38: {  	[sflag:s12] =	ssyncset.done $0x0  }
0x39: {  	[sflag:s12] =	ssyncadd.s32 $0xFFFFD800  }
0x3a: {  	_ =	sfence.sel $0x180000  }
0x3b: {  	[bflag:$0x0] =	sbarrier.arrive $0xFFFF  }
0x3c: {  	p0 =	sne.s32 s0, $0x0;
	_ =	strace $0x9000004D  }
0x3d: {  	s0 =	sadd.s32 @!p0 $0x100000, s1;
	[bflag:$0x2] =	sbarrier.arrive $0xFFFF  }
0x3e: {  	[sflag:s0] =	ssyncadd.tile.s32 @!p0 $0x1;
	_ =	shalt  }
.Lfunc_end2:
_tile_overlayer_lowered:
.L_overlay_start_2:
0x3f: {  	(tag) =	ssettag $0x2  }
0x40: {  	s0 =	rddreg [dreg:$0x0];
	s2 =	stileid.u32  }
0x41: {  	s1 =	rddreg [dreg:$0x1];
	p0 =	sne.s32 s2, $0x0  }
0x42: {  	s3 =	rddreg [dreg:$0x2];
	[bflag:$0x3] =	sbarrier.arrive $0xFFFF;
	s2 =	simm.s32 @!p0 $0x1C02  }
0x43: {  	[timem:s3], [sflag:s2] =	dma.local @!p0 [hbm:s0], s1  }
0x44: {  	s0 =	simm.s32 @!p0 $0x2  }
0x45: {  	_ =	swait.ge @!p0 [sflag:s0], s1  }
0x46: {  	s1 =	ssub.s32 @!p0 $0x0, s1;
	[sflag:s0] =	ssyncset.done @!p0 $0x0  }
0x47: {  	[sflag:s0] =	ssyncadd.s32 @!p0 s1  }
0x48: {  	[bflag:$0x3] =	sbarrier.arrive $0xFFFF  }
0x49: {  	_ =	shalt  }

// kernel: kernel.9.cloned.1.call-start
scs
__scs_entry_jumppad:
0x0: {  	(pc) =	sbr.rel $0x88, $3  }
0x1: {  	(tag) =	ssettag $0x0;
	lr =	simm.s32 $0x1  }
0x2: {  	[smem:$0x3F95] =	sst lr;
	_ =	strace $0xD0000000  }
0x3: {  	_ = 	snop  }
0x4: {  	_ = 	snop  }
0x5: {  	_ = 	snop  }
0x6: {  	_ = 	snop  }
0x7: {  	_ = 	snop  }
__scs_overlays_trampoline_lowered:
0x8: {  	[smem:$0x3FA4] =	sst s0  }
0x9: {  	[smem:$0x3FA5] =	sst s1  }
0xa: {  	[smem:$0x3FA6] =	sst s2  }
0xb: {  	[smem:$0x3FA7] =	sst s3  }
0xc: {  	[smem:$0x3FA8] =	sst s4  }
0xd: {  	[smem:$0x3FA9] =	sst s5  }
0xe: {  	[smem:$0x3FAA] =	sst s6  }
0xf: {  	[smem:$0x3FAB] =	sst s7  }
0x10: {  	[smem:$0x3FAC] =	sst s8  }
0x11: {  	[smem:$0x3FAD] =	sst s9;
	s0 =	simm.s32 @!p0 $0x0  }
0x12: {  	s1 =	sld [smem:$0x3F93];
	s0 =	simm.s32 @p0 $0x1  }
0x13: {  	[smem:$0x3FAE] =	sst s0;
	s0 =	simm.s32 @!p1 $0x0  }
0x14: {  	s2 =	sld [smem:$0x3F92];
	s0 =	simm.s32 @p1 $0x1  }
0x15: {  	[smem:$0x3FAF] =	sst s0;
	s0 =	simm.s32 @!p2 $0x0  }
0x16: {  	s3 =	sld [smem:$0x3FDB];
	s0 =	simm.s32 @p2 $0x1  }
0x17: {  	s4 =	simm.s32 $0x1BF5;
	[smem:$0x3FB1] =	sst s0  }
0x18: {  	s0 =	sld [smem:$0x3F94];
	_ =	swait.ge [sflag:s4], $0x0  }
0x19: {  	s7 =	sld [smem:$0x3F95]  }
0x1a: {  	s8 =	sadd.s32 $0xFFFFE003, lr  }
0x1b: {  	s9 =	sadd.s32 $0xFFFFFEF7, lr;
	s5 =	simm.s32 $0xFFFFFFFF;
	p2 =	slt.u32 s8, $0xFFFFF086  }
0x1c: {  	p1 =	slt.u32 s9, $0xF7A;
	s5 =	simm.s32 @!p2 $0x0  }
0x1d: {  	s5 =	simm.s32 @p1 $0x1;
	p0 =	seq.s32 s7, s2  }
0x1e: {  	s7 =	smul.u32 @!p0 $0xF7A, s2;
	p2 =	seq.s32 @!p0 s5, $0x0  }
0x1f: {  	s9 =	smul.u32 $0xF7A, s1;
	s8 =	simm.s32 @!p0 $0x1BF5;
	p2 =	por !p2, p0  }
0x20: {  	[sflag:s8] =	ssyncset.s32 @!p0 $0xFFFFF086;
	s6 =	sadd.s32 @!p0 s3, s7;
	s7 =	simm.s32 @!p0 $0x108  }
0x21: {  	s3 =	sadd.s32 s3, s9;
	s6 =	sadd.s32 @!p0 $0x88, s6;
	s7 =	simm.s32 @p2 $0x1082  }
0x22: {  	[simem:s7], [sflag:s8] =	dma.local @!p0 [hbm:s6], $0xF7A  }
0x23: {  	s9 =	sor.u32 $0xD0000000, s2;
	s6 =	simm.s32 $0x108;
	_ =	swait.ge @!p0 [sflag:s8], $0x0  }
0x24: {  	s3 =	sadd.s32 $0x88, s3;
	s6 =	simm.s32 @!p1 $0x1082;
	[sflag:s4] =	ssyncset.s32 $0xFFFFF086  }
0x25: {  	[simem:s6], [sflag:s4] =	dma.local [hbm:s3], $0xF7A  }
0x26: {  	[smem:$0x3F95] =	sst s1;
	(tag) =	ssettag s2;
	_ =	strace s9  }
0x27: {  	s1 =	sld [smem:$0x3FA5]  }
0x28: {  	s2 =	sld [smem:$0x3FA6]  }
0x29: {  	s4 =	sld [smem:$0x3FA8]  }
0x2a: {  	p0 =	seq.s32 s5, $0x0;
	s5 =	sld [smem:$0x3FA9]  }
0x2b: {  	s6 =	sld [smem:$0x3FAA]  }
0x2c: {  	s7 =	sld [smem:$0x3FAB]  }
0x2d: {  	s3 =	simm.s32 $0x108;
	s8 =	sld [smem:$0x3FAC]  }
0x2e: {  	s3 =	simm.s32 @!p0 $0x1082;
	s9 =	sld [smem:$0x3FAD]  }
0x2f: {  	lr =	sadd.s32 s0, s3;
	s0 =	sld [smem:$0x3FA4]  }
0x30: {  	s3 =	sld [smem:$0x3FA7]  }
0x31: {  	[smem:$0x3FB0] =	sst s10  }
0x32: {  	s10 =	sld [smem:$0x3FAE];
	_ =	sdelay $0x3  }
0x33: {  	p0 =	seq.s32 s10, $0x1;
	s10 =	sld [smem:$0x3FB0];
	_ =	sdelay $0x3  }
0x34: {  	[smem:$0x3FB0] =	sst s10  }
0x35: {  	s10 =	sld [smem:$0x3FAF];
	_ =	sdelay $0x3  }
0x36: {  	p1 =	seq.s32 s10, $0x1;
	s10 =	sld [smem:$0x3FB0];
	_ =	sdelay $0x3  }
0x37: {  	[smem:$0x3FB0] =	sst s10  }
0x38: {  	s10 =	sld [smem:$0x3FB1]  }
0x39: {  	_ = 	snop;
	(pc) =	sbr.ind lr, $3  }
0x3a: {  	_ = 	snop  }
0x3b: {  	_ = 	snop  }
0x3c: {  	p2 =	seq.s32 s10, $0x1;
	s10 =	sld [smem:$0x3FB0]  }
0x3d: {  	_ =	shalt  }
0x3e: {  	_ =	shalt  }
0x3f: {  	_ =	shalt  }
0x40: {  	_ =	shalt  }
0x41: {  	_ =	shalt  }
0x42: {  	_ =	shalt  }
0x43: {  	_ =	shalt  }
0x44: {  	_ =	shalt  }
0x45: {  	_ =	shalt  }
0x46: {  	_ =	shalt  }
0x47: {  	_ =	shalt  }
0x48: {  	_ =	shalt  }
0x49: {  	_ =	shalt  }
0x4a: {  	_ =	shalt  }
0x4b: {  	_ =	shalt  }
0x4c: {  	_ =	shalt  }
0x4d: {  	_ =	shalt  }
0x4e: {  	_ =	shalt  }
0x4f: {  	_ =	shalt  }
0x50: {  	_ =	shalt  }
0x51: {  	_ =	shalt  }
0x52: {  	_ =	shalt  }
0x53: {  	_ =	shalt  }
0x54: {  	_ =	shalt  }
0x55: {  	_ =	shalt  }
0x56: {  	_ =	shalt  }
0x57: {  	_ =	shalt  }
0x58: {  	_ =	shalt  }
0x59: {  	_ =	shalt  }
0x5a: {  	_ =	shalt  }
0x5b: {  	_ =	shalt  }
0x5c: {  	_ =	shalt  }
0x5d: {  	_ =	shalt  }
0x5e: {  	_ =	shalt  }
0x5f: {  	_ =	shalt  }
0x60: {  	_ =	shalt  }
0x61: {  	_ =	shalt  }
0x62: {  	_ =	shalt  }
0x63: {  	_ =	shalt  }
0x64: {  	_ =	shalt  }
0x65: {  	_ =	shalt  }
0x66: {  	_ =	shalt  }
0x67: {  	_ =	shalt  }
0x68: {  	_ =	shalt  }
0x69: {  	_ =	shalt  }
0x6a: {  	_ =	shalt  }
0x6b: {  	_ =	shalt  }
0x6c: {  	_ =	shalt  }
0x6d: {  	_ =	shalt  }
0x6e: {  	_ =	shalt  }
0x6f: {  	_ =	shalt  }
0x70: {  	_ =	shalt  }
0x71: {  	_ =	shalt  }
0x72: {  	_ =	shalt  }
0x73: {  	_ =	shalt  }
0x74: {  	_ =	shalt  }
0x75: {  	_ =	shalt  }
0x76: {  	_ =	shalt  }
0x77: {  	_ =	shalt  }
0x78: {  	_ =	shalt  }
0x79: {  	_ =	shalt  }
0x7a: {  	_ =	shalt  }
0x7b: {  	_ =	shalt  }
0x7c: {  	_ =	shalt  }
0x7d: {  	_ =	shalt  }
0x7e: {  	_ =	shalt  }
0x7f: {  	_ =	shalt  }
0x80: {  	_ =	shalt  }
0x81: {  	_ =	shalt  }
0x82: {  	_ =	shalt  }
0x83: {  	_ =	shalt  }
0x84: {  	_ =	shalt  }
0x85: {  	_ =	shalt  }
0x86: {  	_ =	shalt  }
0x87: {  	_ =	shalt  }
.Lfunc_end0:
.L_simem_size_0:
called_computation_lowered:
.L_overlay_start_0:
0x88: {  	s2 =	sld [smem:$0x3FD9]  }
0x89: {  	s3 =	sld [smem:$0x3FFE];
	_ =	sdelay $0x1  }
0x8a: {  	s1 =	srdreg.scid  }
0x8b: {  	s0 =	sand.u32 $0x1, s1  }
0x8c: {  	s16 =	sshll.u32 s0, $0xA;
	s2 =	sadd.s32 s3, s2  }
0x8d: {  	s2 =	sadd.s32 s2, s16  }
0x8e: {  	[smem:$0x3FBC] =	sst s2  }
0x8f: {  	_ = 	snop  }
0x90: {  	(tm) =	ssettm $0x1  }
0x91: {  	s17 =	sld [smem:$0x3FFB];
	_ =	sdelay $0x3  }
0x92: {  	_ =	strace s17  }
0x93: {  	s2 =	sld [smem:$0x3FFC];
	_ =	sdelay $0x3  }
0x94: {  	_ =	strace s2  }
0x95: {  	s2 =	sld [smem:$0x3FFD];
	_ =	sdelay $0x3  }
0x96: {  	_ =	strace s2  }
0x97: {  	_ =	strace $0x8FFFFFFF  }
0x98: {  	s18 =	sld [smem:$0x3FDB];
	_ =	sdelay $0x1  }
0x99: {  	s19 =	simm.s32 $_scs_section_size  }
0x9a: {  	s4 =	simm.s32 $_size__tile_overlayer_lowered;
	s5 =	simm.s32 $_tile_overlayer_lowered  }
0x9b: {  	s22 =	simm.s32 $0x1BFF;
	s21 =	sshll.u32 s5, $0x1;
	s2 =	sadd.s32 s19, s18  }
0x9c: {  	s6 =	simm.s32 $0x0;
	s20 =	sshll.u32 s4, $0x1;
	s4 =	sadd.s32 s21, s2  }
0x9d: {  	[timem:s6], [sflag:s22] =	dma.local [hbm:s4], s20  }
0x9e: {  	_ =	swait.ge [sflag:s22], s20  }
0x9f: {  	s3 =	ssub.s32 $0x0, s20;
	[sflag:s22] =	ssyncset.done $0x0  }
0xa0: {  	[sflag:s22] =	ssyncadd.s32 s3;
	_ =	sdelay $0x1  }
0xa1: {  	s23 =	simm.s32 $0x1B8B  }
0xa2: {  	_ =	swait.ge [sflag:s23], $0x1  }
0xa3: {  	[sflag:s23] =	ssyncset.done $0x0  }
0xa4: {  	s25 =	simm.s32 $0x1B8E;
	s24 =	sld [smem:$0x3FFE];
	[sflag:s23] =	ssyncadd.s32 $0xFFFFFFFF  }
0xa5: {  	s26 =	simm.s32 $execute0_lowered;
	[smem:$0x3FD2] =	sst s25  }
0xa6: {  	s4 =	sshll.u32 s26, $0x1;
	_ =	strace $0x80000046;
	[dreg:$0x1] =	wrdreg $0xFFFFFFFF  }
0xa7: {  	s28 =	simm.s32 $_size_execute0_lowered;
	s2 =	sadd.s32 s2, s4;
	[dreg:$0x0] =	wrdreg $0x0  }
0xa8: {  	s4 =	sshll.u32 s28, $0x1;
	[dreg:$0x2] =	wrdreg s2  }
0xa9: {  	[dreg:$0x3] =	wrdreg s4  }
0xaa: {  	[dreg:$0x4] =	wrdreg $0xC0  }
0xab: {  	_ =	task [dreg:s6], $0x5FFFF  }
0xac: {  	[dreg:$0x1] =	wrdreg $0xFFFFFFFF  }
0xad: {  	[dreg:$0x0] =	wrdreg $0x60  }
0xae: {  	[dreg:$0x2] =	wrdreg s24  }
0xaf: {  	[dreg:$0x3] =	wrdreg $0x68000  }
0xb0: {  	[dreg:$0x4] =	wrdreg $0x9  }
0xb1: {  	_ =	task.clear_ibuf [dreg:s6], $0x5FFFF;
	_ =	strace $0x90000046  }
0xb2: {  	s29 =	simm.s32 $0x9;
	_ =	strace $0x80000048  }
0xb3: {  	_ =	swait.ge [sflag:s29], $0x1  }
0xb4: {  	[sflag:s29] =	ssyncadd.s32 $0xFFFFFFFF  }
0xb5: {  	_ =	strace $0x90000048  }
0xb6: {  	_ =	sfence  }
0xb7: {  	s30 =	sld [smem:$0x0];
	_ =	sdelay $0x2  }
0xb8: {  	s31 =	sshll.u32 s1, $0xD;
	s1 =	sshrl.u32 s1, $0x2  }
0xb9: {  	s3 =	sand.u32 $0x4000, s31;
	s1 =	sadd.s32 s1, s30  }
0xba: {  	s0 =	sor.u32 s3, s0;
	s1 =	sshll.u32 s1, $0x11  }
0xbb: {  	s0 =	sor.u32 s1, s0  }
0xbc: {  	s0 =	sadd.s32 $0x8F2B, s0  }
0xbd: {  	[sflag:s0] =	ssyncadd.remote.s32 $0x1  }
0xbe: {  	_ =	sfence.sel $0xFFFF  }
0xbf: {  	[dreg:$0x0] =	wrdreg $0xFFFFFFFF;
	(pc) =	sbr.abs _section_cstart, $3  }
0xc0: {  	[dreg:$0x1] =	wrdreg $0xFFFFFFFF  }
0xc1: {  	_ =	task.clear_ibuf [dreg:s6], $0x2FFFF;
	_ =	strace $0x9FFFFFFF  }
0xc2: {  	(tm) =	ssettm $0x7FFFFFFF  }
0xc3: {  	_ =	shalt  }
tec
execute0_lowered:
.L_overlay_start_1:
0x0: {  	(tag) =	ssettag $0x1  }
0x1: {  	s1 =	srdreg.scid;
	s5 =	rddreg [dreg:$0x0]  }
0x2: {  	s0 =	stileid.u32;
	s2 =	rddreg [dreg:$0x1];
	s3 =	simm.s32 $0x0  }
0x3: {  	s14 =	simm.s32 $0x0;
	s4 =	sand.u32 $0x1, s1;
	s1 =	rddreg [dreg:$0x2]  }
0x4: {  	s25 =	sshll.u32 s0, $0x1;
	s7 =	smul.u32 $0x14000, s0;
	[smem:$0x7FF] =	sst s3  }
0x5: {  	s29 =	smul.u32 $0x50000, s0;
	s31 =	sshll.u32 s0, $0x6;
	s6 =	sor.u32 s4, s25  }
0x6: {  	s9 =	smul.u32 $0x140000, s4;
	_ =	strace $0x80000047;
	s28 =	ssub.s32 $0x2, s4  }
0x7: {  	s4 =	sadd.s32 $0x36600, s5;
	s6 =	smul.u32 $0x500, s6;
	s8 =	sshrl.u32 s7, $0x3  }
0x8: {  	s11 =	sshrl.u32 s28, $0x1;
	s30 =	sshrl.u32 s29, $0x2;
	s26 =	sadd.s32 s8, s5  }
0x9: {  	s7 =	sadd.s32 s7, s9;
	s11 =	ssub.s32 s28, s11;
	s13 =	sadd.s32 s30, s2  }
0xa: {  	s10 =	sadd.s32 s6, s5;
	s7 =	sshrl.u32 s7, $0x3;
	s6 =	sor.u32 $0x1C01, s31  }
0xb: {  	s9 =	smax.u32 s11, $0x1;
	s11 =	simm.s32 $0x1;
	s12 =	sadd.s32 s7, s5  }
0xc: {  	s5 =	sadd.s32 $0xE600, s26;
	s7 =	sadd.s32 $0x4600, s10;
	s10 =	sshrl.u32 s13, $0x3  }
0xd: {  	s13 =	simm.s32 $0x80;
	s8 =	sadd.s32 $0x36E00, s12;
	s12 =	simm.s32 $0x2800  }
.LBB2_1:
0xe: {  	[spmem:s10], [sflag:s6] =	dma.local [hbm:s5], $0x2800  }
0xf: {  	_ =	swait.ge [sflag:s11], $0x2800  }
0x10: {  	[sflag:s11] =	ssyncset.done $0x0  }
0x11: {  	[sflag:s11] =	ssyncadd.s32 $0xFFFFD800  }
0x12: {  	[tilespmem:s12], [sflag:$0x1] =	stream.linear.gather [hbm4b:s4+s3], $0x4000, $0x38;
	[tilespmem:$0x1A800] =	vst v63  }
0x13: {  	_ =	swait.ge [sflag:s11], $0x4000  }
0x14: {  	[sflag:s11] =	ssyncset.done $0x0  }
0x15: {  	[sflag:s11] =	ssyncadd.s32 $0xFFFFC000  }
0x16: {  	[tilespmem:s3], [sflag:$0x1] =	stream.linear.gather [hbm4b:s7+s3], $0x2780, $0x38;
	[tilespmem:$0x1A800] =	vst v63  }
0x17: {  	_ =	swait.ge [sflag:s11], $0x2780  }
0x18: {  	[sflag:s11] =	ssyncset.done $0x0  }
0x19: {  	[sflag:s11] =	ssyncadd.s32 $0xFFFFD880  }
0x1a: {  	s15 =	simm.s32 $0x0;
	[bflag:$0x0] =	sbarrier.arrive $0xFFFF  }
0x1b: {  	[spmem:s2] =	stream.indirect.scatter.add.f32 [tilespmem:s12], [sflag:$0x1], $0x80, s15, s13, $0xb8;
	[tilespmem:$0x1A800] =	vst v63  }
0x1c: {  	_ =	swait.ge [sflag:s11], $0x4000  }
0x1d: {  	s15 =	simm.s32 $0x200;
	[sflag:s11] =	ssyncset.done $0x0  }
.LBB2_2:
0x1e: {  	s16 =	sshra.s32 s15, $0x2;
	[sflag:s11] =	ssyncadd.s32 $0xFFFFC000;
	p0 =	sne.s32 s15, $0x9C00  }
0x1f: {  	[spmem:s2] =	stream.indirect.scatter.add.f32 [tilespmem:s12], [sflag:$0x1], $0x80, s16, s13, $0xb8;
	[tilespmem:$0x1A800] =	vst v63  }
.Ltmp0:
0x20: {  	_ = 	snop;
	(pc) =	sbr.rel @p0 .LBB2_2-.Ltmp0, $4  }
0x21: {  	_ = 	snop  }
0x22: {  	s15 =	sadd.s32 $0x200, s15  }
0x23: {  	_ =	swait.ge [sflag:s11], $0x4000  }
0x24: {  	[sflag:s11] =	ssyncset.done $0x0  }
0x25: {  	s14 =	sadd.s32 $0x1, s14  }
0x26: {  	[sflag:s11] =	ssyncadd.s32 $0xFFFFC000;
	p0 =	sne.s32 s14, s9  }
.Ltmp1:
0x27: {  	[bflag:$0x0] =	sbarrier.arrive $0xFFFF;
	(pc) =	sbr.rel @p0 .LBB2_1-.Ltmp1, $4  }
0x28: {  	[hbm:s8], [sflag:s6] =	dma.local [spmem:s10], $0x2800  }
0x29: {  	_ =	swait.ge [sflag:s11], $0x2800  }
0x2a: {  	[sflag:s11] =	ssyncset.done $0x0  }
0x2b: {  	[sflag:s11] =	ssyncadd.s32 $0xFFFFD800  }
0x2c: {  	_ =	sfence.sel $0x180000  }
0x2d: {  	[bflag:$0x0] =	sbarrier.arrive $0xFFFF  }
0x2e: {  	p0 =	sne.s32 s0, $0x0;
	_ =	strace $0x90000047  }
0x2f: {  	s0 =	sadd.s32 @!p0 $0x100000, s1;
	[bflag:$0x2] =	sbarrier.arrive $0xFFFF  }
0x30: {  	[sflag:s0] =	ssyncadd.tile.s32 @!p0 $0x1;
	_ =	shalt  }
.Lfunc_end2:
_tile_overlayer_lowered:
.L_overlay_start_2:
0x31: {  	(tag) =	ssettag $0x2  }
0x32: {  	s0 =	rddreg [dreg:$0x0];
	s2 =	stileid.u32  }
0x33: {  	s1 =	rddreg [dreg:$0x1];
	p0 =	sne.s32 s2, $0x0  }
0x34: {  	s3 =	rddreg [dreg:$0x2];
	[bflag:$0x3] =	sbarrier.arrive $0xFFFF;
	s2 =	simm.s32 @!p0 $0x1C01  }
0x35: {  	[timem:s3], [sflag:s2] =	dma.local @!p0 [hbm:s0], s1  }
0x36: {  	s0 =	simm.s32 @!p0 $0x1  }
0x37: {  	_ =	swait.ge @!p0 [sflag:s0], s1  }
0x38: {  	s1 =	ssub.s32 @!p0 $0x0, s1;
	[sflag:s0] =	ssyncset.done @!p0 $0x0  }
0x39: {  	[sflag:s0] =	ssyncadd.s32 @!p0 s1  }
0x3a: {  	[bflag:$0x3] =	sbarrier.arrive $0xFFFF  }
0x3b: {  	_ =	shalt  }

</sc_bundles>
